<compile_context>
chip_gen: v7x
topology: tpu7x:2x2x1
jax: 0.10.2.dev20260603
libtpu: 0.0.44.dev20260713+nightly
codegen_flags: <defaults>
</compile_context>

<pallas_src>
import jax
import jax.numpy as jnp
from jax import lax
from jax.experimental import pallas as pl
from jax.experimental.pallas import tpu as pltpu
from jax.experimental.pallas import tpu_sc as plsc

N = 10000
E = 320000
D = 128

NC = 2
NS = 16
CH = 128

N_PAD = 10240
E_PAD = 327680
EPT = E_PAD // (NC * NS)
NCHUNK = EPT // CH
ROWS_PT = N_PAD // NS
IDXB = 40
NPH = NCHUNK // IDXB
_mesh = plsc.VectorSubcoreMesh(
    core_axis_name="c", subcore_axis_name="s", num_cores=NC, num_subcores=NS)


def _zero_rows(ref, nrows, ncols):
    zero = jnp.zeros((16,), jnp.float32)

    def row(r, _):
        def col(g, __):
            ref[r, pl.ds(g * 16, 16)] = zero
            return __
        return lax.fori_loop(0, ncols // 16, col, None)
    lax.fori_loop(0, nrows, row, None)


def _deg_body(srcm_hbm, dstm_hbm, out_hbm,
              stage_sh, hist_s, hist_d, idx_s, idx_d, tmp_v, acc_s, acc_d,
              wide_v):
    c = lax.axis_index("c")
    s = lax.axis_index("s")
    tcb = (c * NS + s) * NCHUNK
    zero = jnp.zeros((16,), jnp.float32)
    ones = jnp.full((16,), 1.0, jnp.float32)

    def zhist(g, carry):
        hist_s[pl.ds(g * 16, 16)] = zero
        hist_d[pl.ds(g * 16, 16)] = zero
        return carry
    lax.fori_loop(0, N_PAD // 16, zhist, None)

    def chunk(j, carry):
        def group(g, carry2):
            iv_s = idx_s[j, pl.ds(g * 16, 16)]
            iv_d = idx_d[j, pl.ds(g * 16, 16)]
            plsc.addupdate_scatter(hist_s, [iv_s], ones)
            plsc.addupdate_scatter(hist_d, [iv_d], ones)
            return carry2
        return lax.fori_loop(0, CH // 16, group, carry)

    def phase(ph, carry):
        pltpu.sync_copy(srcm_hbm.at[pl.ds(tcb + ph * IDXB, IDXB)], idx_s)
        pltpu.sync_copy(dstm_hbm.at[pl.ds(tcb + ph * IDXB, IDXB)], idx_d)
        lax.fori_loop(0, IDXB, chunk, None)
        return carry
    lax.fori_loop(0, NPH, phase, None)

    pltpu.sync_copy(hist_s, stage_sh.at[s])
    pltpu.sync_copy(hist_d, stage_sh.at[NS + s])
    plsc.subcore_barrier()

    def zacc(g, carry):
        acc_s[pl.ds(g * 16, 16)] = zero
        acc_d[pl.ds(g * 16, 16)] = zero
        return carry
    lax.fori_loop(0, ROWS_PT // 16, zacc, None)

    def red(t, carry):
        pltpu.sync_copy(stage_sh.at[t, pl.ds(s * ROWS_PT, ROWS_PT)], tmp_v)

        def add_s(g, carry2):
            sl = pl.ds(g * 16, 16)
            acc_s[sl] = acc_s[sl] + tmp_v[sl]
            return carry2
        lax.fori_loop(0, ROWS_PT // 16, add_s, None)
        pltpu.sync_copy(stage_sh.at[NS + t, pl.ds(s * ROWS_PT, ROWS_PT)],
                        tmp_v)

        def add_d(g, carry2):
            sl = pl.ds(g * 16, 16)
            acc_d[sl] = acc_d[sl] + tmp_v[sl]
            return carry2
        lax.fori_loop(0, ROWS_PT // 16, add_d, None)
        return carry
    lax.fori_loop(0, NS, red, None)

    lanes = lax.iota(jnp.int32, 16)
    col0 = jnp.zeros((16,), jnp.int32)
    col1 = jnp.full((16,), 1, jnp.int32)

    def wchunk(k, carry):
        def grp(g, carry2):
            base = k * CH + g * 16
            vs = acc_s[pl.ds(base, 16)]
            vd = acc_d[pl.ds(base, 16)]
            rows = g * 16 + lanes
            plsc.store_scatter(wide_v, [rows, col0], vs)
            plsc.store_scatter(wide_v, [rows, col1], vd)
            return carry2
        lax.fori_loop(0, CH // 16, grp, None)
        pltpu.sync_copy(
            wide_v,
            out_hbm.at[pl.ds(c * N_PAD + s * ROWS_PT + k * CH, CH)])
        return carry
    lax.fori_loop(0, ROWS_PT // CH, wchunk, None)


_deg = pl.kernel(
    _deg_body,
    out_type=jax.ShapeDtypeStruct((NC * N_PAD, D), jnp.float32),
    mesh=_mesh,
    compiler_params=pltpu.CompilerParams(needs_layout_passes=False),
    scratch_types=[
        pltpu.VMEM_SHARED((2 * NS, N_PAD), jnp.float32),
        pltpu.VMEM((N_PAD,), jnp.float32),
        pltpu.VMEM((N_PAD,), jnp.float32),
        pltpu.VMEM((IDXB, CH), jnp.int32),
        pltpu.VMEM((IDXB, CH), jnp.int32),
        pltpu.VMEM((ROWS_PT,), jnp.float32),
        pltpu.VMEM((ROWS_PT,), jnp.float32),
        pltpu.VMEM((ROWS_PT,), jnp.float32),
        pltpu.VMEM((CH, D), jnp.float32),
    ],
)


def _agg_body(h_hbm, srcm_hbm, dstm_hbm, out_hbm,
              acc_sh, rows0, rows1, idx_s, idx_d, sem0, sem1):
    c = lax.axis_index("c")
    s = lax.axis_index("s")
    tcb = (c * NS + s) * NCHUNK
    _zero_rows(rows0, CH, D)

    def zchunk(k, carry):
        pltpu.sync_copy(rows0, acc_sh.at[pl.ds(s * ROWS_PT + k * CH, CH)])
        return carry
    lax.fori_loop(0, ROWS_PT // CH, zchunk, None)
    plsc.subcore_barrier()

    def pair(g, carry):
        j = 2 * g
        pltpu.make_async_copy(h_hbm.at[idx_s.at[j]], rows0, sem0).wait()
        d1 = pltpu.async_copy(h_hbm.at[idx_s.at[j + 1]], rows1, sem1)
        pltpu.sync_copy(rows0, acc_sh.at[idx_d.at[j]], add=True)
        d1.wait()

        @pl.when(j + 2 < carry)
        def _():
            pltpu.async_copy(h_hbm.at[idx_s.at[j + 2]], rows0, sem0)
        pltpu.sync_copy(rows1, acc_sh.at[idx_d.at[j + 1]], add=True)
        return carry

    def phase(ph, carry):
        pltpu.sync_copy(srcm_hbm.at[pl.ds(tcb + ph * IDXB, IDXB)], idx_s)
        pltpu.sync_copy(dstm_hbm.at[pl.ds(tcb + ph * IDXB, IDXB)], idx_d)
        pltpu.async_copy(h_hbm.at[idx_s.at[0]], rows0, sem0)
        lax.fori_loop(0, IDXB // 2, pair, IDXB)
        return carry
    lax.fori_loop(0, NPH, phase, None)
    plsc.subcore_barrier()
    pltpu.sync_copy(acc_sh.at[pl.ds(s * ROWS_PT, ROWS_PT)],
                    out_hbm.at[pl.ds(c * N_PAD + s * ROWS_PT, ROWS_PT)])


_agg = pl.kernel(
    _agg_body,
    out_type=jax.ShapeDtypeStruct((NC * N_PAD, D), jnp.float32),
    mesh=_mesh,
    scratch_types=[
        pltpu.VMEM_SHARED((N_PAD, D), jnp.float32),
        pltpu.VMEM((CH, D), jnp.float32),
        pltpu.VMEM((CH, D), jnp.float32),
        pltpu.VMEM((IDXB, CH), jnp.int32),
        pltpu.VMEM((IDXB, CH), jnp.int32),
        pltpu.SemaphoreType.DMA,
        pltpu.SemaphoreType.DMA,
    ],
)


BR = 1024


def _inv_deg(deg_ref, col):
    d = deg_ref[0] + deg_ref[1]
    return lax.rsqrt(jnp.maximum(d[:, col:col + 1], 1.0))


def _pre_body(deg_ref, x_ref, w_ref, o_ref):
    h = x_ref[...] * _inv_deg(deg_ref, 0)
    o_ref[...] = jnp.dot(h, w_ref[...], preferred_element_type=jnp.float32)


def _mid_body(a_ref, deg_ref, b_ref, w_ref, o_ref):
    a = (a_ref[0] + a_ref[1]) * _inv_deg(deg_ref, 1) + b_ref[...]
    h = jnp.maximum(a, 0.0) * _inv_deg(deg_ref, 0)
    o_ref[...] = jnp.dot(h, w_ref[...], preferred_element_type=jnp.float32)


def _post_body(a_ref, deg_ref, b_ref, o_ref):
    o_ref[...] = (a_ref[0] + a_ref[1]) * _inv_deg(deg_ref, 1) + b_ref[...]


_deg_spec = pl.BlockSpec((2, BR, D), lambda i: (0, i, 0))
_agg_spec = pl.BlockSpec((2, BR, D), lambda i: (0, i, 0))
_row_spec = pl.BlockSpec((BR, D), lambda i: (i, 0))
_w_spec = pl.BlockSpec((D, D), lambda i: (0, 0))
_b_spec = pl.BlockSpec((1, D), lambda i: (0, 0))
_GRID = (N_PAD // BR,)
_out_t = jax.ShapeDtypeStruct((N_PAD, D), jnp.float32)

BRP = 1000
_deg_spec_p = pl.BlockSpec((2, BRP, D), lambda i: (0, i, 0))
_row_spec_p = pl.BlockSpec((BRP, D), lambda i: (i, 0))
_b_spec_p = pl.BlockSpec((1, D), lambda i: (0, 0))

_pre = pl.pallas_call(
    _pre_body, grid=_GRID,
    in_specs=[_deg_spec, _row_spec, _w_spec],
    out_specs=_row_spec, out_shape=_out_t)

_mid = pl.pallas_call(
    _mid_body, grid=_GRID,
    in_specs=[_agg_spec, _deg_spec, _b_spec, _w_spec],
    out_specs=_row_spec, out_shape=_out_t)

_agg_spec_p = pl.BlockSpec((2, BRP, D), lambda i: (0, i, 0))
_post = pl.pallas_call(
    _post_body, grid=(N // BRP,),
    in_specs=[_agg_spec_p, _deg_spec_p, _b_spec_p],
    out_specs=_row_spec_p,
    out_shape=jax.ShapeDtypeStruct((N, D), jnp.float32))


def kernel(features, edge_index, W1, b1, W2, b2):
    src = edge_index[0].astype(jnp.int32)
    dst = edge_index[1].astype(jnp.int32)
    pad_idx = N + jnp.arange(E_PAD - E, dtype=jnp.int32) % (N_PAD - N)
    src_p = jnp.concatenate([src, pad_idx])
    dst_p = jnp.concatenate([dst, pad_idx])
    feat_p = jnp.concatenate(
        [features, jnp.zeros((N_PAD - N, D), jnp.float32)])

    tailm = jnp.full((IDXB, CH), N, dtype=jnp.int32)
    srcm = jnp.concatenate([src_p.reshape(-1, CH), tailm])
    dstm = jnp.concatenate([dst_p.reshape(-1, CH), tailm])

    deg2 = _deg(srcm, dstm).reshape(2, N_PAD, D)
    h1 = _pre(deg2, feat_p, W1)
    a1 = _agg(h1, srcm, dstm).reshape(2, N_PAD, D)
    h2 = _mid(a1, deg2, b1.reshape(1, D), W2)
    a2 = _agg(h2, srcm, dstm).reshape(2, N_PAD, D)
    return _post(a2, deg2, b2.reshape(1, D))

# --- scband reference (transcript-rebuilt; emitter-appended) ---
"""Pipeline reference for scband-gcn-7086696038726 (READ-ONLY COPY).

The authoritative reference and input builder live on the scoring server;
editing this copy changes nothing except your own understanding.
"""

import jax, jax.numpy as jnp
import numpy as np

N_NODES = 10000
N_EDGES = 320000
D_FEAT = 128
D_HID = 128
D_OUT = 128


def setup_inputs(seed: int = 0) -> dict:
    key = jax.random.key(seed)
    k1, k2, k3, k4 = jax.random.split(key, 4)
    features = jax.random.normal(k1, (N_NODES, D_FEAT), dtype=jnp.float32)
    edge_index = jax.random.randint(k2, (2, N_EDGES), 0, N_NODES, dtype=jnp.int64 if jax.config.jax_enable_x64 else jnp.int32).astype(jnp.int32)
    W1 = jax.random.normal(k3, (D_FEAT, D_HID), dtype=jnp.float32) * 0.05
    b1 = jnp.zeros((D_HID,), dtype=jnp.float32)
    W2 = jax.random.normal(k4, (D_HID, D_OUT), dtype=jnp.float32) * 0.05
    b2 = jnp.zeros((D_OUT,), dtype=jnp.float32)
    return {"features": features, "edge_index": edge_index, "W1": W1, "b1": b1, "W2": W2, "b2": b2}


def _graph_conv(h, src, dst, inv_sqrt_deg_out, inv_sqrt_deg_in, W, b):
    # DGL GraphConv, norm='both': D_dst^{-1/2} A D_src^{-1/2} X W + b
    h = h * inv_sqrt_deg_out[:, None]
    h = h @ W
    msgs = h[src]
    agg = jax.ops.segment_sum(msgs, dst, num_segments=N_NODES)
    agg = agg * inv_sqrt_deg_in[:, None]
    return agg + b


def reference(features, edge_index, W1, b1, W2, b2):
    src = edge_index[0]
    dst = edge_index[1]
    ones = jnp.ones((N_EDGES,), dtype=jnp.float32)
    deg_out = jnp.clip(jax.ops.segment_sum(ones, src, num_segments=N_NODES), 1.0)
    deg_in = jnp.clip(jax.ops.segment_sum(ones, dst, num_segments=N_NODES), 1.0)
    inv_out = deg_out ** -0.5
    inv_in = deg_in ** -0.5
    # layer 1: GraphConv with relu activation
    h = _graph_conv(features, src, dst, inv_out, inv_in, W1, b1)
    h = jax.nn.relu(h)
    # dropout(0.5) is identity in eval mode
    # layer 2: GraphConv, no activation
    h = _graph_conv(h, src, dst, inv_out, inv_in, W2, b2)
    return h

if __name__ == "__main__":
    import jax
    _d = setup_inputs()
    print(jax.jit(kernel)(*tuple(_d.values())))

</pallas_src>

<mosaic_0001>
#map = affine_map<(d0, d1) -> (0, 0)>
module attributes {stable_mosaic.version = 14 : i64} {
  func.func @_deg_body(%arg0: i32, %arg1: i32, %arg2: memref<2600x128xi32, #tpu.memory_space<hbm>>, %arg3: memref<2600x128xi32, #tpu.memory_space<hbm>>, %arg4: memref<20480x128xf32, #tpu.memory_space<hbm>>, %arg5: memref<32x10240xf32, #tpu.memory_space<vmem_shared>>, %arg6: memref<10240xf32, #tpu.memory_space<vmem>>, %arg7: memref<10240xf32, #tpu.memory_space<vmem>>, %arg8: memref<40x128xi32, #tpu.memory_space<vmem>>, %arg9: memref<40x128xi32, #tpu.memory_space<vmem>>, %arg10: memref<640xf32, #tpu.memory_space<vmem>>, %arg11: memref<640xf32, #tpu.memory_space<vmem>>, %arg12: memref<640xf32, #tpu.memory_space<vmem>>, %arg13: memref<128x128xf32, #tpu.memory_space<vmem>>) attributes {dimension_semantics = [#tpu.dimension_semantics<core_parallel>, #tpu.dimension_semantics<subcore_parallel>], iteration_bounds = array<i64: 2, 16>, scalar_prefetch = 0 : i64, scratch_operands = 9 : i64, tpu.core_type = #tpu.core_type<sc_vector_subcore>, window_params = [{transform_indices = #map}, {transform_indices = #map}, {transform_indices = #map}]} {
    %mul3A = arith.constant 16 : i32
    %mul3A_0 = arith.muli %arg0, %mul3A : i32
    %add3A = arith.addi %mul3A_0, %arg1 : i32
    %mul3A_1 = arith.constant 80 : i32
    %mul3A_2 = arith.muli %add3A, %mul3A_1 : i32
    %broadcast_in_dim3A = arith.constant 0.000000e+00 : f32
    %broadcast_in_dim3A_3 = vector.broadcast %broadcast_in_dim3A : f32 to vector<16xf32>
    %broadcast_in_dim3A_4 = arith.constant 1.000000e+00 : f32
    %broadcast_in_dim3A_5 = vector.broadcast %broadcast_in_dim3A_4 : f32 to vector<16xf32>
    %scan3A = arith.constant 0 : i32
    %scan3A_6 = arith.constant 640 : i32
    %scan3A_7 = arith.addi %scan3A, %scan3A_6 : i32
    %scan3A_8 = arith.constant 1 : i32
    scf.for %scan3A_36 = %scan3A to %scan3A_7 step %scan3A_8  : i32 {
      %mul3A_37 = arith.constant 16 : i32
      %mul3A_38 = arith.muli %scan3A_36, %mul3A_37 : i32
      %swap3A = arith.index_cast %mul3A_38 : i32 to index
      %swap3A_39 = tpu.vector_load %arg6[%swap3A] {strides = array<i32>} : memref<10240xf32, #tpu.memory_space<vmem>>, vector<16xf32>,
      tpu.vector_store %arg6[%swap3A], %broadcast_in_dim3A_3 {strides = array<i32>} : memref<10240xf32, #tpu.memory_space<vmem>>, vector<16xf32>,
      %mul3A_40 = arith.constant 16 : i32
      %mul3A_41 = arith.muli %scan3A_36, %mul3A_40 : i32
      %swap3A_42 = arith.index_cast %mul3A_41 : i32 to index
      %swap3A_43 = tpu.vector_load %arg7[%swap3A_42] {strides = array<i32>} : memref<10240xf32, #tpu.memory_space<vmem>>, vector<16xf32>,
      tpu.vector_store %arg7[%swap3A_42], %broadcast_in_dim3A_3 {strides = array<i32>} : memref<10240xf32, #tpu.memory_space<vmem>>, vector<16xf32>,
    }
    %scan3A_9 = arith.constant 640 : i32
    %scan3A_10 = arith.constant 0 : i32
    %scan3A_11 = arith.constant 2 : i32
    %scan3A_12 = arith.addi %scan3A_10, %scan3A_11 : i32
    %scan3A_13 = arith.constant 1 : i32
    scf.for %scan3A_36 = %scan3A_10 to %scan3A_12 step %scan3A_13  : i32 {
      %mul3A_37 = arith.constant 40 : i32
      %mul3A_38 = arith.muli %scan3A_36, %mul3A_37 : i32
      %add3A_39 = arith.addi %mul3A_2, %mul3A_38 : i32
      "tpu.region"() ({
        %run_scoped3A = tpu.sem_alloc : memref<!tpu.dma_semaphore, #tpu.memory_space<semaphore_mem>>
        %dma_start3A = arith.constant 0 : i32
        %dma_start3A_48 = tpu.memref_slice %arg2[%add3A_39, %dma_start3A] : memref<2600x128xi32, #tpu.memory_space<hbm>> -> memref<40x128xi32, #tpu.memory_space<hbm>>
        %dma_start3A_49 = arith.constant 0 : i32
        %dma_start3A_50 = tpu.memref_slice %arg2[%add3A_39, %dma_start3A_49] : memref<2600x128xi32, #tpu.memory_space<hbm>> -> memref<40x128xi32, #tpu.memory_space<hbm>>
        tpu.enqueue_dma source(%dma_start3A_50 : memref<40x128xi32, #tpu.memory_space<hbm>>) target(%arg8 : memref<40x128xi32, #tpu.memory_space<vmem>>) target_semaphore(%run_scoped3A : memref<!tpu.dma_semaphore, #tpu.memory_space<semaphore_mem>>)
        %dma_wait3A = arith.constant 0 : i32
        %dma_wait3A_51 = tpu.memref_slice %arg2[%add3A_39, %dma_wait3A] : memref<2600x128xi32, #tpu.memory_space<hbm>> -> memref<40x128xi32, #tpu.memory_space<hbm>>
        %dma_wait3A_52 = arith.constant 0 : i32
        %dma_wait3A_53 = tpu.memref_slice %arg2[%add3A_39, %dma_wait3A_52] : memref<2600x128xi32, #tpu.memory_space<hbm>> -> memref<40x128xi32, #tpu.memory_space<hbm>>
        tpu.wait_dma2 semaphore(%run_scoped3A : memref<!tpu.dma_semaphore, #tpu.memory_space<semaphore_mem>>) src(%dma_wait3A_53 : memref<40x128xi32, #tpu.memory_space<hbm>>) dst(%arg8 : memref<40x128xi32, #tpu.memory_space<vmem>>)
        tpu.yield
      }) : () -> ()
      %mul3A_40 = arith.constant 40 : i32
      %mul3A_41 = arith.muli %scan3A_36, %mul3A_40 : i32
      %add3A_42 = arith.addi %mul3A_2, %mul3A_41 : i32
      "tpu.region"() ({
        %run_scoped3A = tpu.sem_alloc : memref<!tpu.dma_semaphore, #tpu.memory_space<semaphore_mem>>
        %dma_start3A = arith.constant 0 : i32
        %dma_start3A_48 = tpu.memref_slice %arg3[%add3A_42, %dma_start3A] : memref<2600x128xi32, #tpu.memory_space<hbm>> -> memref<40x128xi32, #tpu.memory_space<hbm>>
        %dma_start3A_49 = arith.constant 0 : i32
        %dma_start3A_50 = tpu.memref_slice %arg3[%add3A_42, %dma_start3A_49] : memref<2600x128xi32, #tpu.memory_space<hbm>> -> memref<40x128xi32, #tpu.memory_space<hbm>>
        tpu.enqueue_dma source(%dma_start3A_50 : memref<40x128xi32, #tpu.memory_space<hbm>>) target(%arg9 : memref<40x128xi32, #tpu.memory_space<vmem>>) target_semaphore(%run_scoped3A : memref<!tpu.dma_semaphore, #tpu.memory_space<semaphore_mem>>)
        %dma_wait3A = arith.constant 0 : i32
        %dma_wait3A_51 = tpu.memref_slice %arg3[%add3A_42, %dma_wait3A] : memref<2600x128xi32, #tpu.memory_space<hbm>> -> memref<40x128xi32, #tpu.memory_space<hbm>>
        %dma_wait3A_52 = arith.constant 0 : i32
        %dma_wait3A_53 = tpu.memref_slice %arg3[%add3A_42, %dma_wait3A_52] : memref<2600x128xi32, #tpu.memory_space<hbm>> -> memref<40x128xi32, #tpu.memory_space<hbm>>
        tpu.wait_dma2 semaphore(%run_scoped3A : memref<!tpu.dma_semaphore, #tpu.memory_space<semaphore_mem>>) src(%dma_wait3A_53 : memref<40x128xi32, #tpu.memory_space<hbm>>) dst(%arg9 : memref<40x128xi32, #tpu.memory_space<vmem>>)
        tpu.yield
      }) : () -> ()
      %scan3A_43 = arith.constant 0 : i32
      %scan3A_44 = arith.constant 40 : i32
      %scan3A_45 = arith.addi %scan3A_43, %scan3A_44 : i32
      %scan3A_46 = arith.constant 1 : i32
      scf.for %scan3A_48 = %scan3A_43 to %scan3A_45 step %scan3A_46  : i32 {
        %scan3A_49 = arith.constant 0 : i32
        %scan3A_50 = arith.constant 8 : i32
        %scan3A_51 = arith.addi %scan3A_49, %scan3A_50 : i32
        %scan3A_52 = arith.constant 1 : i32
        scf.for %scan3A_54 = %scan3A_49 to %scan3A_51 step %scan3A_52  : i32 {
          %mul3A_55 = arith.constant 16 : i32
          %mul3A_56 = arith.muli %scan3A_54, %mul3A_55 : i32
          %get3A = arith.index_cast %scan3A_48 : i32 to index
          %get3A_57 = arith.index_cast %mul3A_56 : i32 to index
          %get3A_58 = tpu.vector_load %arg8[%get3A, %get3A_57] {strides = array<i32>} : memref<40x128xi32, #tpu.memory_space<vmem>>, vector<16xi32>,
          %mul3A_59 = arith.constant 16 : i32
          %mul3A_60 = arith.muli %scan3A_54, %mul3A_59 : i32
          %get3A_61 = arith.index_cast %scan3A_48 : i32 to index
          %get3A_62 = arith.index_cast %mul3A_60 : i32 to index
          %get3A_63 = tpu.vector_load %arg9[%get3A_61, %get3A_62] {strides = array<i32>} : memref<40x128xi32, #tpu.memory_space<vmem>>, vector<16xi32>,
          tpu.vector_store_idx %arg6[%get3A_58], %broadcast_in_dim3A_5 {add = true} : memref<10240xf32, #tpu.memory_space<vmem>>[vector<16xi32>], vector<16xf32>,
          tpu.vector_store_idx %arg7[%get3A_63], %broadcast_in_dim3A_5 {add = true} : memref<10240xf32, #tpu.memory_space<vmem>>[vector<16xi32>], vector<16xf32>,
        }
        %scan3A_53 = arith.constant 8 : i32
      }
      %scan3A_47 = arith.constant 40 : i32
    }
    %scan3A_14 = arith.constant 2 : i32
    "tpu.region"() ({
      %run_scoped3A = tpu.sem_alloc : memref<!tpu.dma_semaphore, #tpu.memory_space<semaphore_mem>>
      %dma_start3A = arith.constant 0 : i32
      %dma_start3A_36 = tpu.memref_slice %arg5[%arg1, %dma_start3A] : memref<32x10240xf32, #tpu.memory_space<vmem_shared>> -> memref<1x10240xf32, #tpu.memory_space<vmem_shared>>
      %dma_start3A_37 = tpu.memref_squeeze %dma_start3A_36 : memref<1x10240xf32, #tpu.memory_space<vmem_shared>> -> memref<10240xf32, #tpu.memory_space<vmem_shared>>
      %dma_start3A_38 = arith.constant 0 : i32
      %dma_start3A_39 = tpu.memref_slice %arg5[%arg1, %dma_start3A_38] : memref<32x10240xf32, #tpu.memory_space<vmem_shared>> -> memref<1x10240xf32, #tpu.memory_space<vmem_shared>>
      %dma_start3A_40 = tpu.memref_squeeze %dma_start3A_39 : memref<1x10240xf32, #tpu.memory_space<vmem_shared>> -> memref<10240xf32, #tpu.memory_space<vmem_shared>>
      tpu.enqueue_dma source(%arg6 : memref<10240xf32, #tpu.memory_space<vmem>>) target(%dma_start3A_40 : memref<10240xf32, #tpu.memory_space<vmem_shared>>) target_semaphore(%run_scoped3A : memref<!tpu.dma_semaphore, #tpu.memory_space<semaphore_mem>>)
      %dma_wait3A = arith.constant 0 : i32
      %dma_wait3A_41 = tpu.memref_slice %arg5[%arg1, %dma_wait3A] : memref<32x10240xf32, #tpu.memory_space<vmem_shared>> -> memref<1x10240xf32, #tpu.memory_space<vmem_shared>>
      %dma_wait3A_42 = tpu.memref_squeeze %dma_wait3A_41 : memref<1x10240xf32, #tpu.memory_space<vmem_shared>> -> memref<10240xf32, #tpu.memory_space<vmem_shared>>
      %dma_wait3A_43 = arith.constant 0 : i32
      %dma_wait3A_44 = tpu.memref_slice %arg5[%arg1, %dma_wait3A_43] : memref<32x10240xf32, #tpu.memory_space<vmem_shared>> -> memref<1x10240xf32, #tpu.memory_space<vmem_shared>>
      %dma_wait3A_45 = tpu.memref_squeeze %dma_wait3A_44 : memref<1x10240xf32, #tpu.memory_space<vmem_shared>> -> memref<10240xf32, #tpu.memory_space<vmem_shared>>
      tpu.wait_dma2 semaphore(%run_scoped3A : memref<!tpu.dma_semaphore, #tpu.memory_space<semaphore_mem>>) src(%arg6 : memref<10240xf32, #tpu.memory_space<vmem>>) dst(%dma_wait3A_45 : memref<10240xf32, #tpu.memory_space<vmem_shared>>)
      tpu.yield
    }) : () -> ()
    %add3A_15 = arith.constant 16 : i32
    %add3A_16 = arith.addi %add3A_15, %arg1 : i32
    "tpu.region"() ({
      %run_scoped3A = tpu.sem_alloc : memref<!tpu.dma_semaphore, #tpu.memory_space<semaphore_mem>>
      %dma_start3A = arith.constant 0 : i32
      %dma_start3A_36 = tpu.memref_slice %arg5[%add3A_16, %dma_start3A] : memref<32x10240xf32, #tpu.memory_space<vmem_shared>> -> memref<1x10240xf32, #tpu.memory_space<vmem_shared>>
      %dma_start3A_37 = tpu.memref_squeeze %dma_start3A_36 : memref<1x10240xf32, #tpu.memory_space<vmem_shared>> -> memref<10240xf32, #tpu.memory_space<vmem_shared>>
      %dma_start3A_38 = arith.constant 0 : i32
      %dma_start3A_39 = tpu.memref_slice %arg5[%add3A_16, %dma_start3A_38] : memref<32x10240xf32, #tpu.memory_space<vmem_shared>> -> memref<1x10240xf32, #tpu.memory_space<vmem_shared>>
      %dma_start3A_40 = tpu.memref_squeeze %dma_start3A_39 : memref<1x10240xf32, #tpu.memory_space<vmem_shared>> -> memref<10240xf32, #tpu.memory_space<vmem_shared>>
      tpu.enqueue_dma source(%arg7 : memref<10240xf32, #tpu.memory_space<vmem>>) target(%dma_start3A_40 : memref<10240xf32, #tpu.memory_space<vmem_shared>>) target_semaphore(%run_scoped3A : memref<!tpu.dma_semaphore, #tpu.memory_space<semaphore_mem>>)
      %dma_wait3A = arith.constant 0 : i32
      %dma_wait3A_41 = tpu.memref_slice %arg5[%add3A_16, %dma_wait3A] : memref<32x10240xf32, #tpu.memory_space<vmem_shared>> -> memref<1x10240xf32, #tpu.memory_space<vmem_shared>>
      %dma_wait3A_42 = tpu.memref_squeeze %dma_wait3A_41 : memref<1x10240xf32, #tpu.memory_space<vmem_shared>> -> memref<10240xf32, #tpu.memory_space<vmem_shared>>
      %dma_wait3A_43 = arith.constant 0 : i32
      %dma_wait3A_44 = tpu.memref_slice %arg5[%add3A_16, %dma_wait3A_43] : memref<32x10240xf32, #tpu.memory_space<vmem_shared>> -> memref<1x10240xf32, #tpu.memory_space<vmem_shared>>
      %dma_wait3A_45 = tpu.memref_squeeze %dma_wait3A_44 : memref<1x10240xf32, #tpu.memory_space<vmem_shared>> -> memref<10240xf32, #tpu.memory_space<vmem_shared>>
      tpu.wait_dma2 semaphore(%run_scoped3A : memref<!tpu.dma_semaphore, #tpu.memory_space<semaphore_mem>>) src(%arg7 : memref<10240xf32, #tpu.memory_space<vmem>>) dst(%dma_wait3A_45 : memref<10240xf32, #tpu.memory_space<vmem_shared>>)
      tpu.yield
    }) : () -> ()
    %barrier3A = arith.constant 0 : index
    tpu.barrier barrier_id(%barrier3A)
    %scan3A_17 = arith.constant 0 : i32
    %scan3A_18 = arith.constant 40 : i32
    %scan3A_19 = arith.addi %scan3A_17, %scan3A_18 : i32
    %scan3A_20 = arith.constant 1 : i32
    scf.for %scan3A_36 = %scan3A_17 to %scan3A_19 step %scan3A_20  : i32 {
      %mul3A_37 = arith.constant 16 : i32
      %mul3A_38 = arith.muli %scan3A_36, %mul3A_37 : i32
      %swap3A = arith.index_cast %mul3A_38 : i32 to index
      %swap3A_39 = tpu.vector_load %arg11[%swap3A] {strides = array<i32>} : memref<640xf32, #tpu.memory_space<vmem>>, vector<16xf32>,
      tpu.vector_store %arg11[%swap3A], %broadcast_in_dim3A_3 {strides = array<i32>} : memref<640xf32, #tpu.memory_space<vmem>>, vector<16xf32>,
      %mul3A_40 = arith.constant 16 : i32
      %mul3A_41 = arith.muli %scan3A_36, %mul3A_40 : i32
      %swap3A_42 = arith.index_cast %mul3A_41 : i32 to index
      %swap3A_43 = tpu.vector_load %arg12[%swap3A_42] {strides = array<i32>} : memref<640xf32, #tpu.memory_space<vmem>>, vector<16xf32>,
      tpu.vector_store %arg12[%swap3A_42], %broadcast_in_dim3A_3 {strides = array<i32>} : memref<640xf32, #tpu.memory_space<vmem>>, vector<16xf32>,
    }
    %scan3A_21 = arith.constant 40 : i32
    %scan3A_22 = arith.constant 0 : i32
    %scan3A_23 = arith.constant 16 : i32
    %scan3A_24 = arith.addi %scan3A_22, %scan3A_23 : i32
    %scan3A_25 = arith.constant 1 : i32
    scf.for %scan3A_36 = %scan3A_22 to %scan3A_24 step %scan3A_25  : i32 {
      %mul3A_37 = arith.constant 640 : i32
      %mul3A_38 = arith.muli %arg1, %mul3A_37 : i32
      "tpu.region"() ({
        %run_scoped3A = tpu.sem_alloc : memref<!tpu.dma_semaphore, #tpu.memory_space<semaphore_mem>>
        %dma_start3A = tpu.memref_slice %arg5[%scan3A_36, %mul3A_38] : memref<32x10240xf32, #tpu.memory_space<vmem_shared>> -> memref<1x640xf32, #tpu.memory_space<vmem_shared>>
        %dma_start3A_53 = tpu.memref_squeeze %dma_start3A : memref<1x640xf32, #tpu.memory_space<vmem_shared>> -> memref<640xf32, #tpu.memory_space<vmem_shared>>
        %dma_start3A_54 = tpu.memref_slice %arg5[%scan3A_36, %mul3A_38] : memref<32x10240xf32, #tpu.memory_space<vmem_shared>> -> memref<1x640xf32, #tpu.memory_space<vmem_shared>>
        %dma_start3A_55 = tpu.memref_squeeze %dma_start3A_54 : memref<1x640xf32, #tpu.memory_space<vmem_shared>> -> memref<640xf32, #tpu.memory_space<vmem_shared>>
        tpu.enqueue_dma source(%dma_start3A_55 : memref<640xf32, #tpu.memory_space<vmem_shared>>) target(%arg10 : memref<640xf32, #tpu.memory_space<vmem>>) target_semaphore(%run_scoped3A : memref<!tpu.dma_semaphore, #tpu.memory_space<semaphore_mem>>)
        %dma_wait3A = tpu.memref_slice %arg5[%scan3A_36, %mul3A_38] : memref<32x10240xf32, #tpu.memory_space<vmem_shared>> -> memref<1x640xf32, #tpu.memory_space<vmem_shared>>
        %dma_wait3A_56 = tpu.memref_squeeze %dma_wait3A : memref<1x640xf32, #tpu.memory_space<vmem_shared>> -> memref<640xf32, #tpu.memory_space<vmem_shared>>
        %dma_wait3A_57 = tpu.memref_slice %arg5[%scan3A_36, %mul3A_38] : memref<32x10240xf32, #tpu.memory_space<vmem_shared>> -> memref<1x640xf32, #tpu.memory_space<vmem_shared>>
        %dma_wait3A_58 = tpu.memref_squeeze %dma_wait3A_57 : memref<1x640xf32, #tpu.memory_space<vmem_shared>> -> memref<640xf32, #tpu.memory_space<vmem_shared>>
        tpu.wait_dma2 semaphore(%run_scoped3A : memref<!tpu.dma_semaphore, #tpu.memory_space<semaphore_mem>>) src(%dma_wait3A_58 : memref<640xf32, #tpu.memory_space<vmem_shared>>) dst(%arg10 : memref<640xf32, #tpu.memory_space<vmem>>)
        tpu.yield
      }) : () -> ()
      %scan3A_39 = arith.constant 0 : i32
      %scan3A_40 = arith.constant 40 : i32
      %scan3A_41 = arith.addi %scan3A_39, %scan3A_40 : i32
      %scan3A_42 = arith.constant 1 : i32
      scf.for %scan3A_53 = %scan3A_39 to %scan3A_41 step %scan3A_42  : i32 {
        %mul3A_54 = arith.constant 16 : i32
        %mul3A_55 = arith.muli %scan3A_53, %mul3A_54 : i32
        %get3A = arith.index_cast %mul3A_55 : i32 to index
        %get3A_56 = tpu.vector_load %arg11[%get3A] {strides = array<i32>} : memref<640xf32, #tpu.memory_space<vmem>>, vector<16xf32>,
        %get3A_57 = arith.index_cast %mul3A_55 : i32 to index
        %get3A_58 = tpu.vector_load %arg10[%get3A_57] {strides = array<i32>} : memref<640xf32, #tpu.memory_space<vmem>>, vector<16xf32>,
        %add3A_59 = arith.addf %get3A_56, %get3A_58 : vector<16xf32>
        %swap3A = arith.index_cast %mul3A_55 : i32 to index
        %swap3A_60 = tpu.vector_load %arg11[%swap3A] {strides = array<i32>} : memref<640xf32, #tpu.memory_space<vmem>>, vector<16xf32>,
        tpu.vector_store %arg11[%swap3A], %add3A_59 {strides = array<i32>} : memref<640xf32, #tpu.memory_space<vmem>>, vector<16xf32>,
      }
      %scan3A_43 = arith.constant 40 : i32
      %add3A_44 = arith.constant 16 : i32
      %add3A_45 = arith.addi %add3A_44, %scan3A_36 : i32
      %mul3A_46 = arith.constant 640 : i32
      %mul3A_47 = arith.muli %arg1, %mul3A_46 : i32
      "tpu.region"() ({
        %run_scoped3A = tpu.sem_alloc : memref<!tpu.dma_semaphore, #tpu.memory_space<semaphore_mem>>
        %dma_start3A = tpu.memref_slice %arg5[%add3A_45, %mul3A_47] : memref<32x10240xf32, #tpu.memory_space<vmem_shared>> -> memref<1x640xf32, #tpu.memory_space<vmem_shared>>
        %dma_start3A_53 = tpu.memref_squeeze %dma_start3A : memref<1x640xf32, #tpu.memory_space<vmem_shared>> -> memref<640xf32, #tpu.memory_space<vmem_shared>>
        %dma_start3A_54 = tpu.memref_slice %arg5[%add3A_45, %mul3A_47] : memref<32x10240xf32, #tpu.memory_space<vmem_shared>> -> memref<1x640xf32, #tpu.memory_space<vmem_shared>>
        %dma_start3A_55 = tpu.memref_squeeze %dma_start3A_54 : memref<1x640xf32, #tpu.memory_space<vmem_shared>> -> memref<640xf32, #tpu.memory_space<vmem_shared>>
        tpu.enqueue_dma source(%dma_start3A_55 : memref<640xf32, #tpu.memory_space<vmem_shared>>) target(%arg10 : memref<640xf32, #tpu.memory_space<vmem>>) target_semaphore(%run_scoped3A : memref<!tpu.dma_semaphore, #tpu.memory_space<semaphore_mem>>)
        %dma_wait3A = tpu.memref_slice %arg5[%add3A_45, %mul3A_47] : memref<32x10240xf32, #tpu.memory_space<vmem_shared>> -> memref<1x640xf32, #tpu.memory_space<vmem_shared>>
        %dma_wait3A_56 = tpu.memref_squeeze %dma_wait3A : memref<1x640xf32, #tpu.memory_space<vmem_shared>> -> memref<640xf32, #tpu.memory_space<vmem_shared>>
        %dma_wait3A_57 = tpu.memref_slice %arg5[%add3A_45, %mul3A_47] : memref<32x10240xf32, #tpu.memory_space<vmem_shared>> -> memref<1x640xf32, #tpu.memory_space<vmem_shared>>
        %dma_wait3A_58 = tpu.memref_squeeze %dma_wait3A_57 : memref<1x640xf32, #tpu.memory_space<vmem_shared>> -> memref<640xf32, #tpu.memory_space<vmem_shared>>
        tpu.wait_dma2 semaphore(%run_scoped3A : memref<!tpu.dma_semaphore, #tpu.memory_space<semaphore_mem>>) src(%dma_wait3A_58 : memref<640xf32, #tpu.memory_space<vmem_shared>>) dst(%arg10 : memref<640xf32, #tpu.memory_space<vmem>>)
        tpu.yield
      }) : () -> ()
      %scan3A_48 = arith.constant 0 : i32
      %scan3A_49 = arith.constant 40 : i32
      %scan3A_50 = arith.addi %scan3A_48, %scan3A_49 : i32
      %scan3A_51 = arith.constant 1 : i32
      scf.for %scan3A_53 = %scan3A_48 to %scan3A_50 step %scan3A_51  : i32 {
        %mul3A_54 = arith.constant 16 : i32
        %mul3A_55 = arith.muli %scan3A_53, %mul3A_54 : i32
        %get3A = arith.index_cast %mul3A_55 : i32 to index
        %get3A_56 = tpu.vector_load %arg12[%get3A] {strides = array<i32>} : memref<640xf32, #tpu.memory_space<vmem>>, vector<16xf32>,
        %get3A_57 = arith.index_cast %mul3A_55 : i32 to index
        %get3A_58 = tpu.vector_load %arg10[%get3A_57] {strides = array<i32>} : memref<640xf32, #tpu.memory_space<vmem>>, vector<16xf32>,
        %add3A_59 = arith.addf %get3A_56, %get3A_58 : vector<16xf32>
        %swap3A = arith.index_cast %mul3A_55 : i32 to index
        %swap3A_60 = tpu.vector_load %arg12[%swap3A] {strides = array<i32>} : memref<640xf32, #tpu.memory_space<vmem>>, vector<16xf32>,
        tpu.vector_store %arg12[%swap3A], %add3A_59 {strides = array<i32>} : memref<640xf32, #tpu.memory_space<vmem>>, vector<16xf32>,
      }
      %scan3A_52 = arith.constant 40 : i32
    }
    %scan3A_26 = arith.constant 16 : i32
    %iota3A = tpu.iota {dimensions = array<i32: 0>} : vector<16xi32>
    %broadcast_in_dim3A_27 = arith.constant 0 : i32
    %broadcast_in_dim3A_28 = vector.broadcast %broadcast_in_dim3A_27 : i32 to vector<16xi32>
    %broadcast_in_dim3A_29 = arith.constant 1 : i32
    %broadcast_in_dim3A_30 = vector.broadcast %broadcast_in_dim3A_29 : i32 to vector<16xi32>
    %scan3A_31 = arith.constant 0 : i32
    %scan3A_32 = arith.constant 5 : i32
    %scan3A_33 = arith.addi %scan3A_31, %scan3A_32 : i32
    %scan3A_34 = arith.constant 1 : i32
    scf.for %scan3A_36 = %scan3A_31 to %scan3A_33 step %scan3A_34  : i32 {
      %scan3A_37 = arith.constant 0 : i32
      %scan3A_38 = arith.constant 8 : i32
      %scan3A_39 = arith.addi %scan3A_37, %scan3A_38 : i32
      %scan3A_40 = arith.constant 1 : i32
      scf.for %scan3A_50 = %scan3A_37 to %scan3A_39 step %scan3A_40  : i32 {
        %mul3A_51 = arith.constant 128 : i32
        %mul3A_52 = arith.muli %scan3A_36, %mul3A_51 : i32
        %mul3A_53 = arith.constant 16 : i32
        %mul3A_54 = arith.muli %scan3A_50, %mul3A_53 : i32
        %add3A_55 = arith.addi %mul3A_52, %mul3A_54 : i32
        %get3A = arith.index_cast %add3A_55 : i32 to index
        %get3A_56 = tpu.vector_load %arg11[%get3A] {strides = array<i32>} : memref<640xf32, #tpu.memory_space<vmem>>, vector<16xf32>,
        %get3A_57 = arith.index_cast %add3A_55 : i32 to index
        %get3A_58 = tpu.vector_load %arg12[%get3A_57] {strides = array<i32>} : memref<640xf32, #tpu.memory_space<vmem>>, vector<16xf32>,
        %mul3A_59 = arith.constant 16 : i32
        %mul3A_60 = arith.muli %scan3A_50, %mul3A_59 : i32
        %add3A_61 = vector.broadcast %mul3A_60 : i32 to vector<16xi32>
        %add3A_62 = arith.addi %add3A_61, %iota3A : vector<16xi32>
        tpu.vector_store_idx %arg13[%add3A_62, %broadcast_in_dim3A_28], %get3A_56 : memref<128x128xf32, #tpu.memory_space<vmem>>[vector<16xi32>, vector<16xi32>], vector<16xf32>,
        tpu.vector_store_idx %arg13[%add3A_62, %broadcast_in_dim3A_30], %get3A_58 : memref<128x128xf32, #tpu.memory_space<vmem>>[vector<16xi32>, vector<16xi32>], vector<16xf32>,
      }
      %scan3A_41 = arith.constant 8 : i32
      %mul3A_42 = arith.constant 10240 : i32
      %mul3A_43 = arith.muli %arg0, %mul3A_42 : i32
      %mul3A_44 = arith.constant 640 : i32
      %mul3A_45 = arith.muli %arg1, %mul3A_44 : i32
      %add3A_46 = arith.addi %mul3A_43, %mul3A_45 : i32
      %mul3A_47 = arith.constant 128 : i32
      %mul3A_48 = arith.muli %scan3A_36, %mul3A_47 : i32
      %add3A_49 = arith.addi %add3A_46, %mul3A_48 : i32
      "tpu.region"() ({
        %run_scoped3A = tpu.sem_alloc : memref<!tpu.dma_semaphore, #tpu.memory_space<semaphore_mem>>
        %dma_start3A = arith.constant 0 : i32
        %dma_start3A_50 = tpu.memref_slice %arg4[%add3A_49, %dma_start3A] : memref<20480x128xf32, #tpu.memory_space<hbm>> -> memref<128x128xf32, #tpu.memory_space<hbm>>
        %dma_start3A_51 = arith.constant 0 : i32
        %dma_start3A_52 = tpu.memref_slice %arg4[%add3A_49, %dma_start3A_51] : memref<20480x128xf32, #tpu.memory_space<hbm>> -> memref<128x128xf32, #tpu.memory_space<hbm>>
        tpu.enqueue_dma source(%arg13 : memref<128x128xf32, #tpu.memory_space<vmem>>) target(%dma_start3A_52 : memref<128x128xf32, #tpu.memory_space<hbm>>) target_semaphore(%run_scoped3A : memref<!tpu.dma_semaphore, #tpu.memory_space<semaphore_mem>>)
        %dma_wait3A = arith.constant 0 : i32
        %dma_wait3A_53 = tpu.memref_slice %arg4[%add3A_49, %dma_wait3A] : memref<20480x128xf32, #tpu.memory_space<hbm>> -> memref<128x128xf32, #tpu.memory_space<hbm>>
        %dma_wait3A_54 = arith.constant 0 : i32
        %dma_wait3A_55 = tpu.memref_slice %arg4[%add3A_49, %dma_wait3A_54] : memref<20480x128xf32, #tpu.memory_space<hbm>> -> memref<128x128xf32, #tpu.memory_space<hbm>>
        tpu.wait_dma2 semaphore(%run_scoped3A : memref<!tpu.dma_semaphore, #tpu.memory_space<semaphore_mem>>) src(%arg13 : memref<128x128xf32, #tpu.memory_space<vmem>>) dst(%dma_wait3A_55 : memref<128x128xf32, #tpu.memory_space<hbm>>)
        tpu.yield
      }) : () -> ()
    }
    %scan3A_35 = arith.constant 5 : i32
    return
  }
}

#map = affine_map<(d0, d1) -> (0, 0)>
module attributes {stable_mosaic.version = 14 : i64} {
  func.func @_agg_body(%arg0: i32, %arg1: i32, %arg2: memref<10240x128xf32, #tpu.memory_space<hbm>>, %arg3: memref<2600x128xi32, #tpu.memory_space<hbm>>, %arg4: memref<2600x128xi32, #tpu.memory_space<hbm>>, %arg5: memref<20480x128xf32, #tpu.memory_space<hbm>>, %arg6: memref<10240x128xf32, #tpu.memory_space<vmem_shared>>, %arg7: memref<128x128xf32, #tpu.memory_space<vmem>>, %arg8: memref<128x128xf32, #tpu.memory_space<vmem>>, %arg9: memref<40x128xi32, #tpu.memory_space<vmem>>, %arg10: memref<40x128xi32, #tpu.memory_space<vmem>>, %arg11: memref<!tpu.dma_semaphore, #tpu.memory_space<semaphore_mem>>, %arg12: memref<!tpu.dma_semaphore, #tpu.memory_space<semaphore_mem>>) attributes {dimension_semantics = [#tpu.dimension_semantics<core_parallel>, #tpu.dimension_semantics<subcore_parallel>], iteration_bounds = array<i64: 2, 16>, scalar_prefetch = 0 : i64, scratch_operands = 7 : i64, tpu.core_type = #tpu.core_type<sc_vector_subcore>, window_params = [{transform_indices = #map}, {transform_indices = #map}, {transform_indices = #map}, {transform_indices = #map}]} {
    %mul3A = arith.constant 16 : i32
    %mul3A_0 = arith.muli %arg0, %mul3A : i32
    %add3A = arith.addi %mul3A_0, %arg1 : i32
    %mul3A_1 = arith.constant 80 : i32
    %mul3A_2 = arith.muli %add3A, %mul3A_1 : i32
    %broadcast_in_dim3A = arith.constant 0.000000e+00 : f32
    %broadcast_in_dim3A_3 = vector.broadcast %broadcast_in_dim3A : f32 to vector<16xf32>
    %scan3A = arith.constant 0 : i32
    %scan3A_4 = arith.constant 128 : i32
    %scan3A_5 = arith.addi %scan3A, %scan3A_4 : i32
    %scan3A_6 = arith.constant 1 : i32
    scf.for %scan3A_26 = %scan3A to %scan3A_5 step %scan3A_6  : i32 {
      %scan3A_27 = arith.constant 0 : i32
      %scan3A_28 = arith.constant 8 : i32
      %scan3A_29 = arith.addi %scan3A_27, %scan3A_28 : i32
      %scan3A_30 = arith.constant 1 : i32
      scf.for %scan3A_32 = %scan3A_27 to %scan3A_29 step %scan3A_30  : i32 {
        %mul3A_33 = arith.constant 16 : i32
        %mul3A_34 = arith.muli %scan3A_32, %mul3A_33 : i32
        %swap3A = arith.index_cast %scan3A_26 : i32 to index
        %swap3A_35 = arith.index_cast %mul3A_34 : i32 to index
        %swap3A_36 = tpu.vector_load %arg7[%swap3A, %swap3A_35] {strides = array<i32>} : memref<128x128xf32, #tpu.memory_space<vmem>>, vector<1x16xf32>,
        %swap3A_37 = vector.shape_cast %swap3A_36 : vector<1x16xf32> to vector<16xf32>
        %swap3A_38 = vector.shape_cast %broadcast_in_dim3A_3 : vector<16xf32> to vector<1x16xf32>
        tpu.vector_store %arg7[%swap3A, %swap3A_35], %swap3A_38 {strides = array<i32>} : memref<128x128xf32, #tpu.memory_space<vmem>>, vector<1x16xf32>,
      }
      %scan3A_31 = arith.constant 8 : i32
    }
    %scan3A_7 = arith.constant 128 : i32
    %scan3A_8 = arith.constant 0 : i32
    %scan3A_9 = arith.constant 5 : i32
    %scan3A_10 = arith.addi %scan3A_8, %scan3A_9 : i32
    %scan3A_11 = arith.constant 1 : i32
    scf.for %scan3A_26 = %scan3A_8 to %scan3A_10 step %scan3A_11  : i32 {
      %mul3A_27 = arith.constant 640 : i32
      %mul3A_28 = arith.muli %arg1, %mul3A_27 : i32
      %mul3A_29 = arith.constant 128 : i32
      %mul3A_30 = arith.muli %scan3A_26, %mul3A_29 : i32
      %add3A_31 = arith.addi %mul3A_28, %mul3A_30 : i32
      "tpu.region"() ({
        %run_scoped3A = tpu.sem_alloc : memref<!tpu.dma_semaphore, #tpu.memory_space<semaphore_mem>>
        %dma_start3A = arith.constant 0 : i32
        %dma_start3A_32 = tpu.memref_slice %arg6[%add3A_31, %dma_start3A] : memref<10240x128xf32, #tpu.memory_space<vmem_shared>> -> memref<128x128xf32, #tpu.memory_space<vmem_shared>>
        %dma_start3A_33 = arith.constant 0 : i32
        %dma_start3A_34 = tpu.memref_slice %arg6[%add3A_31, %dma_start3A_33] : memref<10240x128xf32, #tpu.memory_space<vmem_shared>> -> memref<128x128xf32, #tpu.memory_space<vmem_shared>>
        tpu.enqueue_dma source(%arg7 : memref<128x128xf32, #tpu.memory_space<vmem>>) target(%dma_start3A_34 : memref<128x128xf32, #tpu.memory_space<vmem_shared>>) target_semaphore(%run_scoped3A : memref<!tpu.dma_semaphore, #tpu.memory_space<semaphore_mem>>)
        %dma_wait3A = arith.constant 0 : i32
        %dma_wait3A_35 = tpu.memref_slice %arg6[%add3A_31, %dma_wait3A] : memref<10240x128xf32, #tpu.memory_space<vmem_shared>> -> memref<128x128xf32, #tpu.memory_space<vmem_shared>>
        %dma_wait3A_36 = arith.constant 0 : i32
        %dma_wait3A_37 = tpu.memref_slice %arg6[%add3A_31, %dma_wait3A_36] : memref<10240x128xf32, #tpu.memory_space<vmem_shared>> -> memref<128x128xf32, #tpu.memory_space<vmem_shared>>
        tpu.wait_dma2 semaphore(%run_scoped3A : memref<!tpu.dma_semaphore, #tpu.memory_space<semaphore_mem>>) src(%arg7 : memref<128x128xf32, #tpu.memory_space<vmem>>) dst(%dma_wait3A_37 : memref<128x128xf32, #tpu.memory_space<vmem_shared>>)
        tpu.yield
      }) : () -> ()
    }
    %scan3A_12 = arith.constant 5 : i32
    %barrier3A = arith.constant 0 : index
    tpu.barrier barrier_id(%barrier3A)
    %scan3A_13 = arith.constant 0 : i32
    %scan3A_14 = arith.constant 2 : i32
    %scan3A_15 = arith.addi %scan3A_13, %scan3A_14 : i32
    %scan3A_16 = arith.constant 1 : i32
    scf.for %scan3A_26 = %scan3A_13 to %scan3A_15 step %scan3A_16  : i32 {
      %mul3A_27 = arith.constant 40 : i32
      %mul3A_28 = arith.muli %scan3A_26, %mul3A_27 : i32
      %add3A_29 = arith.addi %mul3A_2, %mul3A_28 : i32
      "tpu.region"() ({
        %run_scoped3A = tpu.sem_alloc : memref<!tpu.dma_semaphore, #tpu.memory_space<semaphore_mem>>
        %dma_start3A_45 = arith.constant 0 : i32
        %dma_start3A_46 = tpu.memref_slice %arg3[%add3A_29, %dma_start3A_45] : memref<2600x128xi32, #tpu.memory_space<hbm>> -> memref<40x128xi32, #tpu.memory_space<hbm>>
        %dma_start3A_47 = arith.constant 0 : i32
        %dma_start3A_48 = tpu.memref_slice %arg3[%add3A_29, %dma_start3A_47] : memref<2600x128xi32, #tpu.memory_space<hbm>> -> memref<40x128xi32, #tpu.memory_space<hbm>>
        tpu.enqueue_dma source(%dma_start3A_48 : memref<40x128xi32, #tpu.memory_space<hbm>>) target(%arg9 : memref<40x128xi32, #tpu.memory_space<vmem>>) target_semaphore(%run_scoped3A : memref<!tpu.dma_semaphore, #tpu.memory_space<semaphore_mem>>)
        %dma_wait3A = arith.constant 0 : i32
        %dma_wait3A_49 = tpu.memref_slice %arg3[%add3A_29, %dma_wait3A] : memref<2600x128xi32, #tpu.memory_space<hbm>> -> memref<40x128xi32, #tpu.memory_space<hbm>>
        %dma_wait3A_50 = arith.constant 0 : i32
        %dma_wait3A_51 = tpu.memref_slice %arg3[%add3A_29, %dma_wait3A_50] : memref<2600x128xi32, #tpu.memory_space<hbm>> -> memref<40x128xi32, #tpu.memory_space<hbm>>
        tpu.wait_dma2 semaphore(%run_scoped3A : memref<!tpu.dma_semaphore, #tpu.memory_space<semaphore_mem>>) src(%dma_wait3A_51 : memref<40x128xi32, #tpu.memory_space<hbm>>) dst(%arg9 : memref<40x128xi32, #tpu.memory_space<vmem>>)
        tpu.yield
      }) : () -> ()
      %mul3A_30 = arith.constant 40 : i32
      %mul3A_31 = arith.muli %scan3A_26, %mul3A_30 : i32
      %add3A_32 = arith.addi %mul3A_2, %mul3A_31 : i32
      "tpu.region"() ({
        %run_scoped3A = tpu.sem_alloc : memref<!tpu.dma_semaphore, #tpu.memory_space<semaphore_mem>>
        %dma_start3A_45 = arith.constant 0 : i32
        %dma_start3A_46 = tpu.memref_slice %arg4[%add3A_32, %dma_start3A_45] : memref<2600x128xi32, #tpu.memory_space<hbm>> -> memref<40x128xi32, #tpu.memory_space<hbm>>
        %dma_start3A_47 = arith.constant 0 : i32
        %dma_start3A_48 = tpu.memref_slice %arg4[%add3A_32, %dma_start3A_47] : memref<2600x128xi32, #tpu.memory_space<hbm>> -> memref<40x128xi32, #tpu.memory_space<hbm>>
        tpu.enqueue_dma source(%dma_start3A_48 : memref<40x128xi32, #tpu.memory_space<hbm>>) target(%arg10 : memref<40x128xi32, #tpu.memory_space<vmem>>) target_semaphore(%run_scoped3A : memref<!tpu.dma_semaphore, #tpu.memory_space<semaphore_mem>>)
        %dma_wait3A = arith.constant 0 : i32
        %dma_wait3A_49 = tpu.memref_slice %arg4[%add3A_32, %dma_wait3A] : memref<2600x128xi32, #tpu.memory_space<hbm>> -> memref<40x128xi32, #tpu.memory_space<hbm>>
        %dma_wait3A_50 = arith.constant 0 : i32
        %dma_wait3A_51 = tpu.memref_slice %arg4[%add3A_32, %dma_wait3A_50] : memref<2600x128xi32, #tpu.memory_space<hbm>> -> memref<40x128xi32, #tpu.memory_space<hbm>>
        tpu.wait_dma2 semaphore(%run_scoped3A : memref<!tpu.dma_semaphore, #tpu.memory_space<semaphore_mem>>) src(%dma_wait3A_51 : memref<40x128xi32, #tpu.memory_space<hbm>>) dst(%arg10 : memref<40x128xi32, #tpu.memory_space<vmem>>)
        tpu.yield
      }) : () -> ()
      %dma_start3A = arith.constant 0 : i32
      %dma_start3A_33 = arith.constant 0 : i32
      %dma_start3A_34 = tpu.memref_slice %arg9[%dma_start3A, %dma_start3A_33] : memref<40x128xi32, #tpu.memory_space<vmem>> -> memref<1x128xi32, #tpu.memory_space<vmem>>
      %dma_start3A_35 = tpu.memref_squeeze %dma_start3A_34 : memref<1x128xi32, #tpu.memory_space<vmem>> -> memref<128xi32, #tpu.memory_space<vmem>>
      %dma_start3A_36 = arith.constant 0 : i32
      %dma_start3A_37 = arith.constant 0 : i32
      %dma_start3A_38 = tpu.memref_slice %arg2[%dma_start3A_36, %dma_start3A_37] : memref<10240x128xf32, #tpu.memory_space<hbm>> -> memref<10240x128xf32, #tpu.memory_space<hbm>>
      tpu.enqueue_indirect_dma source(%dma_start3A_38 : memref<10240x128xf32, #tpu.memory_space<hbm>>) target(%arg7 : memref<128x128xf32, #tpu.memory_space<vmem>>) offsets(%dma_start3A_35 : memref<128xi32, #tpu.memory_space<vmem>>) semaphore(%arg11 : memref<!tpu.dma_semaphore, #tpu.memory_space<semaphore_mem>>)
      %scan3A_39 = arith.constant 40 : i32
      %scan3A_40 = arith.constant 0 : i32
      %scan3A_41 = arith.constant 20 : i32
      %scan3A_42 = arith.addi %scan3A_40, %scan3A_41 : i32
      %scan3A_43 = arith.constant 1 : i32
      scf.for %scan3A_45 = %scan3A_40 to %scan3A_42 step %scan3A_43  : i32 {
        %mul3A_46 = arith.constant 2 : i32
        %mul3A_47 = arith.muli %mul3A_46, %scan3A_45 : i32
        %dma_wait3A = arith.constant 0 : i32
        %dma_wait3A_48 = tpu.memref_slice %arg9[%mul3A_47, %dma_wait3A] : memref<40x128xi32, #tpu.memory_space<vmem>> -> memref<1x128xi32, #tpu.memory_space<vmem>>
        %dma_wait3A_49 = tpu.memref_squeeze %dma_wait3A_48 : memref<1x128xi32, #tpu.memory_space<vmem>> -> memref<128xi32, #tpu.memory_space<vmem>>
        %dma_wait3A_50 = arith.constant 0 : i32
        %dma_wait3A_51 = arith.constant 0 : i32
        %dma_wait3A_52 = tpu.memref_slice %arg2[%dma_wait3A_50, %dma_wait3A_51] : memref<10240x128xf32, #tpu.memory_space<hbm>> -> memref<10240x128xf32, #tpu.memory_space<hbm>>
        tpu.wait_indirect_dma semaphore(%arg11 : memref<!tpu.dma_semaphore, #tpu.memory_space<semaphore_mem>>) src(%dma_wait3A_52 : memref<10240x128xf32, #tpu.memory_space<hbm>>) dst(%arg7 : memref<128x128xf32, #tpu.memory_space<vmem>>)
        %add3A_53 = arith.constant 1 : i32
        %add3A_54 = arith.addi %mul3A_47, %add3A_53 : i32
        %dma_start3A_55 = arith.constant 0 : i32
        %dma_start3A_56 = tpu.memref_slice %arg9[%add3A_54, %dma_start3A_55] : memref<40x128xi32, #tpu.memory_space<vmem>> -> memref<1x128xi32, #tpu.memory_space<vmem>>
        %dma_start3A_57 = tpu.memref_squeeze %dma_start3A_56 : memref<1x128xi32, #tpu.memory_space<vmem>> -> memref<128xi32, #tpu.memory_space<vmem>>
        %dma_start3A_58 = arith.constant 0 : i32
        %dma_start3A_59 = arith.constant 0 : i32
        %dma_start3A_60 = tpu.memref_slice %arg2[%dma_start3A_58, %dma_start3A_59] : memref<10240x128xf32, #tpu.memory_space<hbm>> -> memref<10240x128xf32, #tpu.memory_space<hbm>>
        tpu.enqueue_indirect_dma source(%dma_start3A_60 : memref<10240x128xf32, #tpu.memory_space<hbm>>) target(%arg8 : memref<128x128xf32, #tpu.memory_space<vmem>>) offsets(%dma_start3A_57 : memref<128xi32, #tpu.memory_space<vmem>>) semaphore(%arg12 : memref<!tpu.dma_semaphore, #tpu.memory_space<semaphore_mem>>)
        "tpu.region"() ({
          %run_scoped3A = tpu.sem_alloc : memref<!tpu.dma_semaphore, #tpu.memory_space<semaphore_mem>>
          %dma_start3A_72 = arith.constant 0 : i32
          %dma_start3A_73 = tpu.memref_slice %arg10[%mul3A_47, %dma_start3A_72] : memref<40x128xi32, #tpu.memory_space<vmem>> -> memref<1x128xi32, #tpu.memory_space<vmem>>
          %dma_start3A_74 = tpu.memref_squeeze %dma_start3A_73 : memref<1x128xi32, #tpu.memory_space<vmem>> -> memref<128xi32, #tpu.memory_space<vmem>>
          %dma_start3A_75 = arith.constant 0 : i32
          %dma_start3A_76 = arith.constant 0 : i32
          %dma_start3A_77 = tpu.memref_slice %arg6[%dma_start3A_75, %dma_start3A_76] : memref<10240x128xf32, #tpu.memory_space<vmem_shared>> -> memref<10240x128xf32, #tpu.memory_space<vmem_shared>>
          tpu.enqueue_indirect_dma source(%arg7 : memref<128x128xf32, #tpu.memory_space<vmem>>) target(%dma_start3A_77 : memref<10240x128xf32, #tpu.memory_space<vmem_shared>>) offsets(%dma_start3A_74 : memref<128xi32, #tpu.memory_space<vmem>>) semaphore(%run_scoped3A : memref<!tpu.dma_semaphore, #tpu.memory_space<semaphore_mem>>) {add = true}
          %dma_wait3A_78 = arith.constant 0 : i32
          %dma_wait3A_79 = tpu.memref_slice %arg10[%mul3A_47, %dma_wait3A_78] : memref<40x128xi32, #tpu.memory_space<vmem>> -> memref<1x128xi32, #tpu.memory_space<vmem>>
          %dma_wait3A_80 = tpu.memref_squeeze %dma_wait3A_79 : memref<1x128xi32, #tpu.memory_space<vmem>> -> memref<128xi32, #tpu.memory_space<vmem>>
          %dma_wait3A_81 = arith.constant 0 : i32
          %dma_wait3A_82 = arith.constant 0 : i32
          %dma_wait3A_83 = tpu.memref_slice %arg6[%dma_wait3A_81, %dma_wait3A_82] : memref<10240x128xf32, #tpu.memory_space<vmem_shared>> -> memref<10240x128xf32, #tpu.memory_space<vmem_shared>>
          tpu.wait_indirect_dma semaphore(%run_scoped3A : memref<!tpu.dma_semaphore, #tpu.memory_space<semaphore_mem>>) src(%arg7 : memref<128x128xf32, #tpu.memory_space<vmem>>) dst(%dma_wait3A_83 : memref<10240x128xf32, #tpu.memory_space<vmem_shared>>)
          tpu.yield
        }) : () -> ()
        %dma_wait3A_61 = arith.constant 0 : i32
        %dma_wait3A_62 = tpu.memref_slice %arg9[%add3A_54, %dma_wait3A_61] : memref<40x128xi32, #tpu.memory_space<vmem>> -> memref<1x128xi32, #tpu.memory_space<vmem>>
        %dma_wait3A_63 = tpu.memref_squeeze %dma_wait3A_62 : memref<1x128xi32, #tpu.memory_space<vmem>> -> memref<128xi32, #tpu.memory_space<vmem>>
        %dma_wait3A_64 = arith.constant 0 : i32
        %dma_wait3A_65 = arith.constant 0 : i32
        %dma_wait3A_66 = tpu.memref_slice %arg2[%dma_wait3A_64, %dma_wait3A_65] : memref<10240x128xf32, #tpu.memory_space<hbm>> -> memref<10240x128xf32, #tpu.memory_space<hbm>>
        tpu.wait_indirect_dma semaphore(%arg12 : memref<!tpu.dma_semaphore, #tpu.memory_space<semaphore_mem>>) src(%dma_wait3A_66 : memref<10240x128xf32, #tpu.memory_space<hbm>>) dst(%arg8 : memref<128x128xf32, #tpu.memory_space<vmem>>)
        %add3A_67 = arith.constant 2 : i32
        %add3A_68 = arith.addi %mul3A_47, %add3A_67 : i32
        %lt3A = arith.cmpi slt, %add3A_68, %scan3A_39 : i32
        %convert_element_type3A = arith.extui %lt3A : i1 to i32
        %cond3A = arith.constant 0 : i32
        %cond3A_69 = arith.cmpi ne, %convert_element_type3A, %cond3A : i32
        scf.if %cond3A_69 {
          %add3A_72 = arith.constant 2 : i32
          %add3A_73 = arith.addi %mul3A_47, %add3A_72 : i32
          %dma_start3A_74 = arith.constant 0 : i32
          %dma_start3A_75 = tpu.memref_slice %arg9[%add3A_73, %dma_start3A_74] : memref<40x128xi32, #tpu.memory_space<vmem>> -> memref<1x128xi32, #tpu.memory_space<vmem>>
          %dma_start3A_76 = tpu.memref_squeeze %dma_start3A_75 : memref<1x128xi32, #tpu.memory_space<vmem>> -> memref<128xi32, #tpu.memory_space<vmem>>
          %dma_start3A_77 = arith.constant 0 : i32
          %dma_start3A_78 = arith.constant 0 : i32
          %dma_start3A_79 = tpu.memref_slice %arg2[%dma_start3A_77, %dma_start3A_78] : memref<10240x128xf32, #tpu.memory_space<hbm>> -> memref<10240x128xf32, #tpu.memory_space<hbm>>
          tpu.enqueue_indirect_dma source(%dma_start3A_79 : memref<10240x128xf32, #tpu.memory_space<hbm>>) target(%arg7 : memref<128x128xf32, #tpu.memory_space<vmem>>) offsets(%dma_start3A_76 : memref<128xi32, #tpu.memory_space<vmem>>) semaphore(%arg11 : memref<!tpu.dma_semaphore, #tpu.memory_space<semaphore_mem>>)
        } else {
        }
        %add3A_70 = arith.constant 1 : i32
        %add3A_71 = arith.addi %mul3A_47, %add3A_70 : i32
        "tpu.region"() ({
          %run_scoped3A = tpu.sem_alloc : memref<!tpu.dma_semaphore, #tpu.memory_space<semaphore_mem>>
          %dma_start3A_72 = arith.constant 0 : i32
          %dma_start3A_73 = tpu.memref_slice %arg10[%add3A_71, %dma_start3A_72] : memref<40x128xi32, #tpu.memory_space<vmem>> -> memref<1x128xi32, #tpu.memory_space<vmem>>
          %dma_start3A_74 = tpu.memref_squeeze %dma_start3A_73 : memref<1x128xi32, #tpu.memory_space<vmem>> -> memref<128xi32, #tpu.memory_space<vmem>>
          %dma_start3A_75 = arith.constant 0 : i32
          %dma_start3A_76 = arith.constant 0 : i32
          %dma_start3A_77 = tpu.memref_slice %arg6[%dma_start3A_75, %dma_start3A_76] : memref<10240x128xf32, #tpu.memory_space<vmem_shared>> -> memref<10240x128xf32, #tpu.memory_space<vmem_shared>>
          tpu.enqueue_indirect_dma source(%arg8 : memref<128x128xf32, #tpu.memory_space<vmem>>) target(%dma_start3A_77 : memref<10240x128xf32, #tpu.memory_space<vmem_shared>>) offsets(%dma_start3A_74 : memref<128xi32, #tpu.memory_space<vmem>>) semaphore(%run_scoped3A : memref<!tpu.dma_semaphore, #tpu.memory_space<semaphore_mem>>) {add = true}
          %dma_wait3A_78 = arith.constant 0 : i32
          %dma_wait3A_79 = tpu.memref_slice %arg10[%add3A_71, %dma_wait3A_78] : memref<40x128xi32, #tpu.memory_space<vmem>> -> memref<1x128xi32, #tpu.memory_space<vmem>>
          %dma_wait3A_80 = tpu.memref_squeeze %dma_wait3A_79 : memref<1x128xi32, #tpu.memory_space<vmem>> -> memref<128xi32, #tpu.memory_space<vmem>>
          %dma_wait3A_81 = arith.constant 0 : i32
          %dma_wait3A_82 = arith.constant 0 : i32
          %dma_wait3A_83 = tpu.memref_slice %arg6[%dma_wait3A_81, %dma_wait3A_82] : memref<10240x128xf32, #tpu.memory_space<vmem_shared>> -> memref<10240x128xf32, #tpu.memory_space<vmem_shared>>
          tpu.wait_indirect_dma semaphore(%run_scoped3A : memref<!tpu.dma_semaphore, #tpu.memory_space<semaphore_mem>>) src(%arg8 : memref<128x128xf32, #tpu.memory_space<vmem>>) dst(%dma_wait3A_83 : memref<10240x128xf32, #tpu.memory_space<vmem_shared>>)
          tpu.yield
        }) : () -> ()
      }
      %scan3A_44 = arith.constant 20 : i32
    }
    %scan3A_17 = arith.constant 2 : i32
    %barrier3A_18 = arith.constant 0 : index
    tpu.barrier barrier_id(%barrier3A_18)
    %mul3A_19 = arith.constant 640 : i32
    %mul3A_20 = arith.muli %arg1, %mul3A_19 : i32
    %mul3A_21 = arith.constant 10240 : i32
    %mul3A_22 = arith.muli %arg0, %mul3A_21 : i32
    %mul3A_23 = arith.constant 640 : i32
    %mul3A_24 = arith.muli %arg1, %mul3A_23 : i32
    %add3A_25 = arith.addi %mul3A_22, %mul3A_24 : i32
    "tpu.region"() ({
      %run_scoped3A = tpu.sem_alloc : memref<!tpu.dma_semaphore, #tpu.memory_space<semaphore_mem>>
      %dma_start3A = arith.constant 0 : i32
      %dma_start3A_26 = tpu.memref_slice %arg5[%add3A_25, %dma_start3A] : memref<20480x128xf32, #tpu.memory_space<hbm>> -> memref<640x128xf32, #tpu.memory_space<hbm>>
      %dma_start3A_27 = arith.constant 0 : i32
      %dma_start3A_28 = tpu.memref_slice %arg6[%mul3A_20, %dma_start3A_27] : memref<10240x128xf32, #tpu.memory_space<vmem_shared>> -> memref<640x128xf32, #tpu.memory_space<vmem_shared>>
      tpu.enqueue_dma source(%dma_start3A_28 : memref<640x128xf32, #tpu.memory_space<vmem_shared>>) target(%dma_start3A_26 : memref<640x128xf32, #tpu.memory_space<hbm>>) target_semaphore(%run_scoped3A : memref<!tpu.dma_semaphore, #tpu.memory_space<semaphore_mem>>)
      %dma_wait3A = arith.constant 0 : i32
      %dma_wait3A_29 = tpu.memref_slice %arg5[%add3A_25, %dma_wait3A] : memref<20480x128xf32, #tpu.memory_space<hbm>> -> memref<640x128xf32, #tpu.memory_space<hbm>>
      %dma_wait3A_30 = arith.constant 0 : i32
      %dma_wait3A_31 = tpu.memref_slice %arg6[%mul3A_20, %dma_wait3A_30] : memref<10240x128xf32, #tpu.memory_space<vmem_shared>> -> memref<640x128xf32, #tpu.memory_space<vmem_shared>>
      tpu.wait_dma2 semaphore(%run_scoped3A : memref<!tpu.dma_semaphore, #tpu.memory_space<semaphore_mem>>) src(%dma_wait3A_31 : memref<640x128xf32, #tpu.memory_space<vmem_shared>>) dst(%dma_wait3A_29 : memref<640x128xf32, #tpu.memory_space<hbm>>)
      tpu.yield
    }) : () -> ()
    return
  }
}

#map = affine_map<(d0, d1) -> (0, 0)>
module attributes {stable_mosaic.version = 14 : i64} {
  func.func @_agg_body(%arg0: i32, %arg1: i32, %arg2: memref<10240x128xf32, #tpu.memory_space<hbm>>, %arg3: memref<2600x128xi32, #tpu.memory_space<hbm>>, %arg4: memref<2600x128xi32, #tpu.memory_space<hbm>>, %arg5: memref<20480x128xf32, #tpu.memory_space<hbm>>, %arg6: memref<10240x128xf32, #tpu.memory_space<vmem_shared>>, %arg7: memref<128x128xf32, #tpu.memory_space<vmem>>, %arg8: memref<128x128xf32, #tpu.memory_space<vmem>>, %arg9: memref<40x128xi32, #tpu.memory_space<vmem>>, %arg10: memref<40x128xi32, #tpu.memory_space<vmem>>, %arg11: memref<!tpu.dma_semaphore, #tpu.memory_space<semaphore_mem>>, %arg12: memref<!tpu.dma_semaphore, #tpu.memory_space<semaphore_mem>>) attributes {dimension_semantics = [#tpu.dimension_semantics<core_parallel>, #tpu.dimension_semantics<subcore_parallel>], iteration_bounds = array<i64: 2, 16>, scalar_prefetch = 0 : i64, scratch_operands = 7 : i64, tpu.core_type = #tpu.core_type<sc_vector_subcore>, window_params = [{transform_indices = #map}, {transform_indices = #map}, {transform_indices = #map}, {transform_indices = #map}]} {
    %mul3A = arith.constant 16 : i32
    %mul3A_0 = arith.muli %arg0, %mul3A : i32
    %add3A = arith.addi %mul3A_0, %arg1 : i32
    %mul3A_1 = arith.constant 80 : i32
    %mul3A_2 = arith.muli %add3A, %mul3A_1 : i32
    %broadcast_in_dim3A = arith.constant 0.000000e+00 : f32
    %broadcast_in_dim3A_3 = vector.broadcast %broadcast_in_dim3A : f32 to vector<16xf32>
    %scan3A = arith.constant 0 : i32
    %scan3A_4 = arith.constant 128 : i32
    %scan3A_5 = arith.addi %scan3A, %scan3A_4 : i32
    %scan3A_6 = arith.constant 1 : i32
    scf.for %scan3A_26 = %scan3A to %scan3A_5 step %scan3A_6  : i32 {
      %scan3A_27 = arith.constant 0 : i32
      %scan3A_28 = arith.constant 8 : i32
      %scan3A_29 = arith.addi %scan3A_27, %scan3A_28 : i32
      %scan3A_30 = arith.constant 1 : i32
      scf.for %scan3A_32 = %scan3A_27 to %scan3A_29 step %scan3A_30  : i32 {
        %mul3A_33 = arith.constant 16 : i32
        %mul3A_34 = arith.muli %scan3A_32, %mul3A_33 : i32
        %swap3A = arith.index_cast %scan3A_26 : i32 to index
        %swap3A_35 = arith.index_cast %mul3A_34 : i32 to index
        %swap3A_36 = tpu.vector_load %arg7[%swap3A, %swap3A_35] {strides = array<i32>} : memref<128x128xf32, #tpu.memory_space<vmem>>, vector<1x16xf32>,
        %swap3A_37 = vector.shape_cast %swap3A_36 : vector<1x16xf32> to vector<16xf32>
        %swap3A_38 = vector.shape_cast %broadcast_in_dim3A_3 : vector<16xf32> to vector<1x16xf32>
        tpu.vector_store %arg7[%swap3A, %swap3A_35], %swap3A_38 {strides = array<i32>} : memref<128x128xf32, #tpu.memory_space<vmem>>, vector<1x16xf32>,
      }
      %scan3A_31 = arith.constant 8 : i32
    }
    %scan3A_7 = arith.constant 128 : i32
    %scan3A_8 = arith.constant 0 : i32
    %scan3A_9 = arith.constant 5 : i32
    %scan3A_10 = arith.addi %scan3A_8, %scan3A_9 : i32
    %scan3A_11 = arith.constant 1 : i32
    scf.for %scan3A_26 = %scan3A_8 to %scan3A_10 step %scan3A_11  : i32 {
      %mul3A_27 = arith.constant 640 : i32
      %mul3A_28 = arith.muli %arg1, %mul3A_27 : i32
      %mul3A_29 = arith.constant 128 : i32
      %mul3A_30 = arith.muli %scan3A_26, %mul3A_29 : i32
      %add3A_31 = arith.addi %mul3A_28, %mul3A_30 : i32
      "tpu.region"() ({
        %run_scoped3A = tpu.sem_alloc : memref<!tpu.dma_semaphore, #tpu.memory_space<semaphore_mem>>
        %dma_start3A = arith.constant 0 : i32
        %dma_start3A_32 = tpu.memref_slice %arg6[%add3A_31, %dma_start3A] : memref<10240x128xf32, #tpu.memory_space<vmem_shared>> -> memref<128x128xf32, #tpu.memory_space<vmem_shared>>
        %dma_start3A_33 = arith.constant 0 : i32
        %dma_start3A_34 = tpu.memref_slice %arg6[%add3A_31, %dma_start3A_33] : memref<10240x128xf32, #tpu.memory_space<vmem_shared>> -> memref<128x128xf32, #tpu.memory_space<vmem_shared>>
        tpu.enqueue_dma source(%arg7 : memref<128x128xf32, #tpu.memory_space<vmem>>) target(%dma_start3A_34 : memref<128x128xf32, #tpu.memory_space<vmem_shared>>) target_semaphore(%run_scoped3A : memref<!tpu.dma_semaphore, #tpu.memory_space<semaphore_mem>>)
        %dma_wait3A = arith.constant 0 : i32
        %dma_wait3A_35 = tpu.memref_slice %arg6[%add3A_31, %dma_wait3A] : memref<10240x128xf32, #tpu.memory_space<vmem_shared>> -> memref<128x128xf32, #tpu.memory_space<vmem_shared>>
        %dma_wait3A_36 = arith.constant 0 : i32
        %dma_wait3A_37 = tpu.memref_slice %arg6[%add3A_31, %dma_wait3A_36] : memref<10240x128xf32, #tpu.memory_space<vmem_shared>> -> memref<128x128xf32, #tpu.memory_space<vmem_shared>>
        tpu.wait_dma2 semaphore(%run_scoped3A : memref<!tpu.dma_semaphore, #tpu.memory_space<semaphore_mem>>) src(%arg7 : memref<128x128xf32, #tpu.memory_space<vmem>>) dst(%dma_wait3A_37 : memref<128x128xf32, #tpu.memory_space<vmem_shared>>)
        tpu.yield
      }) : () -> ()
    }
    %scan3A_12 = arith.constant 5 : i32
    %barrier3A = arith.constant 0 : index
    tpu.barrier barrier_id(%barrier3A)
    %scan3A_13 = arith.constant 0 : i32
    %scan3A_14 = arith.constant 2 : i32
    %scan3A_15 = arith.addi %scan3A_13, %scan3A_14 : i32
    %scan3A_16 = arith.constant 1 : i32
    scf.for %scan3A_26 = %scan3A_13 to %scan3A_15 step %scan3A_16  : i32 {
      %mul3A_27 = arith.constant 40 : i32
      %mul3A_28 = arith.muli %scan3A_26, %mul3A_27 : i32
      %add3A_29 = arith.addi %mul3A_2, %mul3A_28 : i32
      "tpu.region"() ({
        %run_scoped3A = tpu.sem_alloc : memref<!tpu.dma_semaphore, #tpu.memory_space<semaphore_mem>>
        %dma_start3A_45 = arith.constant 0 : i32
        %dma_start3A_46 = tpu.memref_slice %arg3[%add3A_29, %dma_start3A_45] : memref<2600x128xi32, #tpu.memory_space<hbm>> -> memref<40x128xi32, #tpu.memory_space<hbm>>
        %dma_start3A_47 = arith.constant 0 : i32
        %dma_start3A_48 = tpu.memref_slice %arg3[%add3A_29, %dma_start3A_47] : memref<2600x128xi32, #tpu.memory_space<hbm>> -> memref<40x128xi32, #tpu.memory_space<hbm>>
        tpu.enqueue_dma source(%dma_start3A_48 : memref<40x128xi32, #tpu.memory_space<hbm>>) target(%arg9 : memref<40x128xi32, #tpu.memory_space<vmem>>) target_semaphore(%run_scoped3A : memref<!tpu.dma_semaphore, #tpu.memory_space<semaphore_mem>>)
        %dma_wait3A = arith.constant 0 : i32
        %dma_wait3A_49 = tpu.memref_slice %arg3[%add3A_29, %dma_wait3A] : memref<2600x128xi32, #tpu.memory_space<hbm>> -> memref<40x128xi32, #tpu.memory_space<hbm>>
        %dma_wait3A_50 = arith.constant 0 : i32
        %dma_wait3A_51 = tpu.memref_slice %arg3[%add3A_29, %dma_wait3A_50] : memref<2600x128xi32, #tpu.memory_space<hbm>> -> memref<40x128xi32, #tpu.memory_space<hbm>>
        tpu.wait_dma2 semaphore(%run_scoped3A : memref<!tpu.dma_semaphore, #tpu.memory_space<semaphore_mem>>) src(%dma_wait3A_51 : memref<40x128xi32, #tpu.memory_space<hbm>>) dst(%arg9 : memref<40x128xi32, #tpu.memory_space<vmem>>)
        tpu.yield
      }) : () -> ()
      %mul3A_30 = arith.constant 40 : i32
      %mul3A_31 = arith.muli %scan3A_26, %mul3A_30 : i32
      %add3A_32 = arith.addi %mul3A_2, %mul3A_31 : i32
      "tpu.region"() ({
        %run_scoped3A = tpu.sem_alloc : memref<!tpu.dma_semaphore, #tpu.memory_space<semaphore_mem>>
        %dma_start3A_45 = arith.constant 0 : i32
        %dma_start3A_46 = tpu.memref_slice %arg4[%add3A_32, %dma_start3A_45] : memref<2600x128xi32, #tpu.memory_space<hbm>> -> memref<40x128xi32, #tpu.memory_space<hbm>>
        %dma_start3A_47 = arith.constant 0 : i32
        %dma_start3A_48 = tpu.memref_slice %arg4[%add3A_32, %dma_start3A_47] : memref<2600x128xi32, #tpu.memory_space<hbm>> -> memref<40x128xi32, #tpu.memory_space<hbm>>
        tpu.enqueue_dma source(%dma_start3A_48 : memref<40x128xi32, #tpu.memory_space<hbm>>) target(%arg10 : memref<40x128xi32, #tpu.memory_space<vmem>>) target_semaphore(%run_scoped3A : memref<!tpu.dma_semaphore, #tpu.memory_space<semaphore_mem>>)
        %dma_wait3A = arith.constant 0 : i32
        %dma_wait3A_49 = tpu.memref_slice %arg4[%add3A_32, %dma_wait3A] : memref<2600x128xi32, #tpu.memory_space<hbm>> -> memref<40x128xi32, #tpu.memory_space<hbm>>
        %dma_wait3A_50 = arith.constant 0 : i32
        %dma_wait3A_51 = tpu.memref_slice %arg4[%add3A_32, %dma_wait3A_50] : memref<2600x128xi32, #tpu.memory_space<hbm>> -> memref<40x128xi32, #tpu.memory_space<hbm>>
        tpu.wait_dma2 semaphore(%run_scoped3A : memref<!tpu.dma_semaphore, #tpu.memory_space<semaphore_mem>>) src(%dma_wait3A_51 : memref<40x128xi32, #tpu.memory_space<hbm>>) dst(%arg10 : memref<40x128xi32, #tpu.memory_space<vmem>>)
        tpu.yield
      }) : () -> ()
      %dma_start3A = arith.constant 0 : i32
      %dma_start3A_33 = arith.constant 0 : i32
      %dma_start3A_34 = tpu.memref_slice %arg9[%dma_start3A, %dma_start3A_33] : memref<40x128xi32, #tpu.memory_space<vmem>> -> memref<1x128xi32, #tpu.memory_space<vmem>>
      %dma_start3A_35 = tpu.memref_squeeze %dma_start3A_34 : memref<1x128xi32, #tpu.memory_space<vmem>> -> memref<128xi32, #tpu.memory_space<vmem>>
      %dma_start3A_36 = arith.constant 0 : i32
      %dma_start3A_37 = arith.constant 0 : i32
      %dma_start3A_38 = tpu.memref_slice %arg2[%dma_start3A_36, %dma_start3A_37] : memref<10240x128xf32, #tpu.memory_space<hbm>> -> memref<10240x128xf32, #tpu.memory_space<hbm>>
      tpu.enqueue_indirect_dma source(%dma_start3A_38 : memref<10240x128xf32, #tpu.memory_space<hbm>>) target(%arg7 : memref<128x128xf32, #tpu.memory_space<vmem>>) offsets(%dma_start3A_35 : memref<128xi32, #tpu.memory_space<vmem>>) semaphore(%arg11 : memref<!tpu.dma_semaphore, #tpu.memory_space<semaphore_mem>>)
      %scan3A_39 = arith.constant 40 : i32
      %scan3A_40 = arith.constant 0 : i32
      %scan3A_41 = arith.constant 20 : i32
      %scan3A_42 = arith.addi %scan3A_40, %scan3A_41 : i32
      %scan3A_43 = arith.constant 1 : i32
      scf.for %scan3A_45 = %scan3A_40 to %scan3A_42 step %scan3A_43  : i32 {
        %mul3A_46 = arith.constant 2 : i32
        %mul3A_47 = arith.muli %mul3A_46, %scan3A_45 : i32
        %dma_wait3A = arith.constant 0 : i32
        %dma_wait3A_48 = tpu.memref_slice %arg9[%mul3A_47, %dma_wait3A] : memref<40x128xi32, #tpu.memory_space<vmem>> -> memref<1x128xi32, #tpu.memory_space<vmem>>
        %dma_wait3A_49 = tpu.memref_squeeze %dma_wait3A_48 : memref<1x128xi32, #tpu.memory_space<vmem>> -> memref<128xi32, #tpu.memory_space<vmem>>
        %dma_wait3A_50 = arith.constant 0 : i32
        %dma_wait3A_51 = arith.constant 0 : i32
        %dma_wait3A_52 = tpu.memref_slice %arg2[%dma_wait3A_50, %dma_wait3A_51] : memref<10240x128xf32, #tpu.memory_space<hbm>> -> memref<10240x128xf32, #tpu.memory_space<hbm>>
        tpu.wait_indirect_dma semaphore(%arg11 : memref<!tpu.dma_semaphore, #tpu.memory_space<semaphore_mem>>) src(%dma_wait3A_52 : memref<10240x128xf32, #tpu.memory_space<hbm>>) dst(%arg7 : memref<128x128xf32, #tpu.memory_space<vmem>>)
        %add3A_53 = arith.constant 1 : i32
        %add3A_54 = arith.addi %mul3A_47, %add3A_53 : i32
        %dma_start3A_55 = arith.constant 0 : i32
        %dma_start3A_56 = tpu.memref_slice %arg9[%add3A_54, %dma_start3A_55] : memref<40x128xi32, #tpu.memory_space<vmem>> -> memref<1x128xi32, #tpu.memory_space<vmem>>
        %dma_start3A_57 = tpu.memref_squeeze %dma_start3A_56 : memref<1x128xi32, #tpu.memory_space<vmem>> -> memref<128xi32, #tpu.memory_space<vmem>>
        %dma_start3A_58 = arith.constant 0 : i32
        %dma_start3A_59 = arith.constant 0 : i32
        %dma_start3A_60 = tpu.memref_slice %arg2[%dma_start3A_58, %dma_start3A_59] : memref<10240x128xf32, #tpu.memory_space<hbm>> -> memref<10240x128xf32, #tpu.memory_space<hbm>>
        tpu.enqueue_indirect_dma source(%dma_start3A_60 : memref<10240x128xf32, #tpu.memory_space<hbm>>) target(%arg8 : memref<128x128xf32, #tpu.memory_space<vmem>>) offsets(%dma_start3A_57 : memref<128xi32, #tpu.memory_space<vmem>>) semaphore(%arg12 : memref<!tpu.dma_semaphore, #tpu.memory_space<semaphore_mem>>)
        "tpu.region"() ({
          %run_scoped3A = tpu.sem_alloc : memref<!tpu.dma_semaphore, #tpu.memory_space<semaphore_mem>>
          %dma_start3A_72 = arith.constant 0 : i32
          %dma_start3A_73 = tpu.memref_slice %arg10[%mul3A_47, %dma_start3A_72] : memref<40x128xi32, #tpu.memory_space<vmem>> -> memref<1x128xi32, #tpu.memory_space<vmem>>
          %dma_start3A_74 = tpu.memref_squeeze %dma_start3A_73 : memref<1x128xi32, #tpu.memory_space<vmem>> -> memref<128xi32, #tpu.memory_space<vmem>>
          %dma_start3A_75 = arith.constant 0 : i32
          %dma_start3A_76 = arith.constant 0 : i32
          %dma_start3A_77 = tpu.memref_slice %arg6[%dma_start3A_75, %dma_start3A_76] : memref<10240x128xf32, #tpu.memory_space<vmem_shared>> -> memref<10240x128xf32, #tpu.memory_space<vmem_shared>>
          tpu.enqueue_indirect_dma source(%arg7 : memref<128x128xf32, #tpu.memory_space<vmem>>) target(%dma_start3A_77 : memref<10240x128xf32, #tpu.memory_space<vmem_shared>>) offsets(%dma_start3A_74 : memref<128xi32, #tpu.memory_space<vmem>>) semaphore(%run_scoped3A : memref<!tpu.dma_semaphore, #tpu.memory_space<semaphore_mem>>) {add = true}
          %dma_wait3A_78 = arith.constant 0 : i32
          %dma_wait3A_79 = tpu.memref_slice %arg10[%mul3A_47, %dma_wait3A_78] : memref<40x128xi32, #tpu.memory_space<vmem>> -> memref<1x128xi32, #tpu.memory_space<vmem>>
          %dma_wait3A_80 = tpu.memref_squeeze %dma_wait3A_79 : memref<1x128xi32, #tpu.memory_space<vmem>> -> memref<128xi32, #tpu.memory_space<vmem>>
          %dma_wait3A_81 = arith.constant 0 : i32
          %dma_wait3A_82 = arith.constant 0 : i32
          %dma_wait3A_83 = tpu.memref_slice %arg6[%dma_wait3A_81, %dma_wait3A_82] : memref<10240x128xf32, #tpu.memory_space<vmem_shared>> -> memref<10240x128xf32, #tpu.memory_space<vmem_shared>>
          tpu.wait_indirect_dma semaphore(%run_scoped3A : memref<!tpu.dma_semaphore, #tpu.memory_space<semaphore_mem>>) src(%arg7 : memref<128x128xf32, #tpu.memory_space<vmem>>) dst(%dma_wait3A_83 : memref<10240x128xf32, #tpu.memory_space<vmem_shared>>)
          tpu.yield
        }) : () -> ()
        %dma_wait3A_61 = arith.constant 0 : i32
        %dma_wait3A_62 = tpu.memref_slice %arg9[%add3A_54, %dma_wait3A_61] : memref<40x128xi32, #tpu.memory_space<vmem>> -> memref<1x128xi32, #tpu.memory_space<vmem>>
        %dma_wait3A_63 = tpu.memref_squeeze %dma_wait3A_62 : memref<1x128xi32, #tpu.memory_space<vmem>> -> memref<128xi32, #tpu.memory_space<vmem>>
        %dma_wait3A_64 = arith.constant 0 : i32
        %dma_wait3A_65 = arith.constant 0 : i32
        %dma_wait3A_66 = tpu.memref_slice %arg2[%dma_wait3A_64, %dma_wait3A_65] : memref<10240x128xf32, #tpu.memory_space<hbm>> -> memref<10240x128xf32, #tpu.memory_space<hbm>>
        tpu.wait_indirect_dma semaphore(%arg12 : memref<!tpu.dma_semaphore, #tpu.memory_space<semaphore_mem>>) src(%dma_wait3A_66 : memref<10240x128xf32, #tpu.memory_space<hbm>>) dst(%arg8 : memref<128x128xf32, #tpu.memory_space<vmem>>)
        %add3A_67 = arith.constant 2 : i32
        %add3A_68 = arith.addi %mul3A_47, %add3A_67 : i32
        %lt3A = arith.cmpi slt, %add3A_68, %scan3A_39 : i32
        %convert_element_type3A = arith.extui %lt3A : i1 to i32
        %cond3A = arith.constant 0 : i32
        %cond3A_69 = arith.cmpi ne, %convert_element_type3A, %cond3A : i32
        scf.if %cond3A_69 {
          %add3A_72 = arith.constant 2 : i32
          %add3A_73 = arith.addi %mul3A_47, %add3A_72 : i32
          %dma_start3A_74 = arith.constant 0 : i32
          %dma_start3A_75 = tpu.memref_slice %arg9[%add3A_73, %dma_start3A_74] : memref<40x128xi32, #tpu.memory_space<vmem>> -> memref<1x128xi32, #tpu.memory_space<vmem>>
          %dma_start3A_76 = tpu.memref_squeeze %dma_start3A_75 : memref<1x128xi32, #tpu.memory_space<vmem>> -> memref<128xi32, #tpu.memory_space<vmem>>
          %dma_start3A_77 = arith.constant 0 : i32
          %dma_start3A_78 = arith.constant 0 : i32
          %dma_start3A_79 = tpu.memref_slice %arg2[%dma_start3A_77, %dma_start3A_78] : memref<10240x128xf32, #tpu.memory_space<hbm>> -> memref<10240x128xf32, #tpu.memory_space<hbm>>
          tpu.enqueue_indirect_dma source(%dma_start3A_79 : memref<10240x128xf32, #tpu.memory_space<hbm>>) target(%arg7 : memref<128x128xf32, #tpu.memory_space<vmem>>) offsets(%dma_start3A_76 : memref<128xi32, #tpu.memory_space<vmem>>) semaphore(%arg11 : memref<!tpu.dma_semaphore, #tpu.memory_space<semaphore_mem>>)
        } else {
        }
        %add3A_70 = arith.constant 1 : i32
        %add3A_71 = arith.addi %mul3A_47, %add3A_70 : i32
        "tpu.region"() ({
          %run_scoped3A = tpu.sem_alloc : memref<!tpu.dma_semaphore, #tpu.memory_space<semaphore_mem>>
          %dma_start3A_72 = arith.constant 0 : i32
          %dma_start3A_73 = tpu.memref_slice %arg10[%add3A_71, %dma_start3A_72] : memref<40x128xi32, #tpu.memory_space<vmem>> -> memref<1x128xi32, #tpu.memory_space<vmem>>
          %dma_start3A_74 = tpu.memref_squeeze %dma_start3A_73 : memref<1x128xi32, #tpu.memory_space<vmem>> -> memref<128xi32, #tpu.memory_space<vmem>>
          %dma_start3A_75 = arith.constant 0 : i32
          %dma_start3A_76 = arith.constant 0 : i32
          %dma_start3A_77 = tpu.memref_slice %arg6[%dma_start3A_75, %dma_start3A_76] : memref<10240x128xf32, #tpu.memory_space<vmem_shared>> -> memref<10240x128xf32, #tpu.memory_space<vmem_shared>>
          tpu.enqueue_indirect_dma source(%arg8 : memref<128x128xf32, #tpu.memory_space<vmem>>) target(%dma_start3A_77 : memref<10240x128xf32, #tpu.memory_space<vmem_shared>>) offsets(%dma_start3A_74 : memref<128xi32, #tpu.memory_space<vmem>>) semaphore(%run_scoped3A : memref<!tpu.dma_semaphore, #tpu.memory_space<semaphore_mem>>) {add = true}
          %dma_wait3A_78 = arith.constant 0 : i32
          %dma_wait3A_79 = tpu.memref_slice %arg10[%add3A_71, %dma_wait3A_78] : memref<40x128xi32, #tpu.memory_space<vmem>> -> memref<1x128xi32, #tpu.memory_space<vmem>>
          %dma_wait3A_80 = tpu.memref_squeeze %dma_wait3A_79 : memref<1x128xi32, #tpu.memory_space<vmem>> -> memref<128xi32, #tpu.memory_space<vmem>>
          %dma_wait3A_81 = arith.constant 0 : i32
          %dma_wait3A_82 = arith.constant 0 : i32
          %dma_wait3A_83 = tpu.memref_slice %arg6[%dma_wait3A_81, %dma_wait3A_82] : memref<10240x128xf32, #tpu.memory_space<vmem_shared>> -> memref<10240x128xf32, #tpu.memory_space<vmem_shared>>
          tpu.wait_indirect_dma semaphore(%run_scoped3A : memref<!tpu.dma_semaphore, #tpu.memory_space<semaphore_mem>>) src(%arg8 : memref<128x128xf32, #tpu.memory_space<vmem>>) dst(%dma_wait3A_83 : memref<10240x128xf32, #tpu.memory_space<vmem_shared>>)
          tpu.yield
        }) : () -> ()
      }
      %scan3A_44 = arith.constant 20 : i32
    }
    %scan3A_17 = arith.constant 2 : i32
    %barrier3A_18 = arith.constant 0 : index
    tpu.barrier barrier_id(%barrier3A_18)
    %mul3A_19 = arith.constant 640 : i32
    %mul3A_20 = arith.muli %arg1, %mul3A_19 : i32
    %mul3A_21 = arith.constant 10240 : i32
    %mul3A_22 = arith.muli %arg0, %mul3A_21 : i32
    %mul3A_23 = arith.constant 640 : i32
    %mul3A_24 = arith.muli %arg1, %mul3A_23 : i32
    %add3A_25 = arith.addi %mul3A_22, %mul3A_24 : i32
    "tpu.region"() ({
      %run_scoped3A = tpu.sem_alloc : memref<!tpu.dma_semaphore, #tpu.memory_space<semaphore_mem>>
      %dma_start3A = arith.constant 0 : i32
      %dma_start3A_26 = tpu.memref_slice %arg5[%add3A_25, %dma_start3A] : memref<20480x128xf32, #tpu.memory_space<hbm>> -> memref<640x128xf32, #tpu.memory_space<hbm>>
      %dma_start3A_27 = arith.constant 0 : i32
      %dma_start3A_28 = tpu.memref_slice %arg6[%mul3A_20, %dma_start3A_27] : memref<10240x128xf32, #tpu.memory_space<vmem_shared>> -> memref<640x128xf32, #tpu.memory_space<vmem_shared>>
      tpu.enqueue_dma source(%dma_start3A_28 : memref<640x128xf32, #tpu.memory_space<vmem_shared>>) target(%dma_start3A_26 : memref<640x128xf32, #tpu.memory_space<hbm>>) target_semaphore(%run_scoped3A : memref<!tpu.dma_semaphore, #tpu.memory_space<semaphore_mem>>)
      %dma_wait3A = arith.constant 0 : i32
      %dma_wait3A_29 = tpu.memref_slice %arg5[%add3A_25, %dma_wait3A] : memref<20480x128xf32, #tpu.memory_space<hbm>> -> memref<640x128xf32, #tpu.memory_space<hbm>>
      %dma_wait3A_30 = arith.constant 0 : i32
      %dma_wait3A_31 = tpu.memref_slice %arg6[%mul3A_20, %dma_wait3A_30] : memref<10240x128xf32, #tpu.memory_space<vmem_shared>> -> memref<640x128xf32, #tpu.memory_space<vmem_shared>>
      tpu.wait_dma2 semaphore(%run_scoped3A : memref<!tpu.dma_semaphore, #tpu.memory_space<semaphore_mem>>) src(%dma_wait3A_31 : memref<640x128xf32, #tpu.memory_space<vmem_shared>>) dst(%dma_wait3A_29 : memref<640x128xf32, #tpu.memory_space<hbm>>)
      tpu.yield
    }) : () -> ()
    return
  }
}

module attributes {stable_mosaic.version = 14 : i64} {
  func.func @_pre_body(%arg0: i32, %arg1: memref<2x1024x128xf32, #tpu.memory_space<vmem>>, %arg2: memref<1024x128xf32, #tpu.memory_space<vmem>>, %arg3: memref<128x128xf32, #tpu.memory_space<vmem>>, %arg4: memref<1024x128xf32, #tpu.memory_space<vmem>>) attributes {dimension_semantics = [#tpu.dimension_semantics<arbitrary>], iteration_bounds = array<i64: 10>, scalar_prefetch = 0 : i64, scratch_operands = 0 : i64, tpu.core_type = #tpu.core_type<tc>, window_params = [{transform_indices = @transform_0, window_bounds = array<i64: 2, 1024, 128>}, {transform_indices = @transform_1, window_bounds = array<i64: 1024, 128>}, {pipeline_mode = #tpu.pipeline_mode<synchronous>, transform_indices = @transform_2, window_bounds = array<i64: 128, 128>}, {transform_indices = @transform_3, window_bounds = array<i64: 1024, 128>}]} {
    %get3A = arith.constant 0 : index
    %get3A_0 = arith.constant 0 : index
    %get3A_1 = vector.load %arg2[%get3A, %get3A_0] : memref<1024x128xf32, #tpu.memory_space<vmem>>, vector<1024x128xf32>
    %get3A_2 = arith.constant 0 : index
    %get3A_3 = arith.constant 0 : index
    %get3A_4 = arith.constant 0 : index
    %get3A_5 = vector.load %arg1[%get3A_2, %get3A_3, %get3A_4] : memref<2x1024x128xf32, #tpu.memory_space<vmem>>, vector<1x1024x128xf32>
    %get3A_6 = vector.shape_cast %get3A_5 : vector<1x1024x128xf32> to vector<1024x128xf32>
    %get3A_7 = arith.constant 1 : index
    %get3A_8 = arith.constant 0 : index
    %get3A_9 = arith.constant 0 : index
    %get3A_10 = vector.load %arg1[%get3A_7, %get3A_8, %get3A_9] : memref<2x1024x128xf32, #tpu.memory_space<vmem>>, vector<1x1024x128xf32>
    %get3A_11 = vector.shape_cast %get3A_10 : vector<1x1024x128xf32> to vector<1024x128xf32>
    %add3A = arith.addf %get3A_6, %get3A_11 : vector<1024x128xf32>
    %slice3A = vector.extract_strided_slice %add3A {offsets = [0, 0], sizes = [1024, 1], strides = [1, 1]} : vector<1024x128xf32> to vector<1024x1xf32>
    %max3A = arith.constant 1.000000e+00 : f32
    %max3A_12 = vector.broadcast %max3A : f32 to vector<1024x1xf32>
    %max3A_13 = arith.maximumf %slice3A, %max3A_12 : vector<1024x1xf32>
    %rsqrt3A = math.rsqrt %max3A_13 : vector<1024x1xf32>
    %mul3A = vector.broadcast %rsqrt3A : vector<1024x1xf32> to vector<1024x128xf32>
    %mul3A_14 = arith.mulf %get3A_1, %mul3A : vector<1024x128xf32>
    %get3A_15 = arith.constant 0 : index
    %get3A_16 = arith.constant 0 : index
    %get3A_17 = vector.load %arg3[%get3A_15, %get3A_16] : memref<128x128xf32, #tpu.memory_space<vmem>>, vector<128x128xf32>
    %dot_general3A = arith.constant dense<0.000000e+00> : vector<1024x128xf32>
    %dot_general3A_18 = tpu.matmul %mul3A_14, %get3A_17, %dot_general3A {dimension_numbers = #tpu.dot_dimension_numbers<[1], [0], [0], [1], [0, 0, 1, 1], [], []>, transpose_lhs_hint = false} : vector<1024x128xf32>, vector<128x128xf32>, vector<1024x128xf32> -> vector<1024x128xf32>
    %swap3A = arith.constant 0 : index
    %swap3A_19 = arith.constant 0 : index
    %swap3A_20 = vector.load %arg4[%swap3A, %swap3A_19] : memref<1024x128xf32, #tpu.memory_space<vmem>>, vector<1024x128xf32>
    tpu.vector_store %arg4[%swap3A, %swap3A_19], %dot_general3A_18 {strides = array<i32>} : memref<1024x128xf32, #tpu.memory_space<vmem>>, vector<1024x128xf32>,
    return
  }
  func.func @transform_0(%arg0: i32) -> (i32, i32, i32) {
    %c0_i32 = arith.constant 0 : i32
    %c0_i32_0 = arith.constant 0 : i32
    %c0_i32_1 = arith.constant 0 : i32
    return %c0_i32, %arg0, %c0_i32_0 : i32, i32, i32
  }
  func.func @transform_1(%arg0: i32) -> (i32, i32) {
    %c0_i32 = arith.constant 0 : i32
    %c0_i32_0 = arith.constant 0 : i32
    return %arg0, %c0_i32 : i32, i32
  }
  func.func @transform_2(%arg0: i32) -> (i32, i32) {
    %c0_i32 = arith.constant 0 : i32
    %c0_i32_0 = arith.constant 0 : i32
    %c0_i32_1 = arith.constant 0 : i32
    return %c0_i32, %c0_i32_0 : i32, i32
  }
  func.func @transform_3(%arg0: i32) -> (i32, i32) {
    %c0_i32 = arith.constant 0 : i32
    %c0_i32_0 = arith.constant 0 : i32
    return %arg0, %c0_i32 : i32, i32
  }
}

module attributes {stable_mosaic.version = 14 : i64} {
  func.func @_mid_body(%arg0: i32, %arg1: memref<2x1024x128xf32, #tpu.memory_space<vmem>>, %arg2: memref<2x1024x128xf32, #tpu.memory_space<vmem>>, %arg3: memref<1x128xf32, #tpu.memory_space<vmem>>, %arg4: memref<128x128xf32, #tpu.memory_space<vmem>>, %arg5: memref<1024x128xf32, #tpu.memory_space<vmem>>) attributes {dimension_semantics = [#tpu.dimension_semantics<arbitrary>], iteration_bounds = array<i64: 10>, scalar_prefetch = 0 : i64, scratch_operands = 0 : i64, tpu.core_type = #tpu.core_type<tc>, window_params = [{transform_indices = @transform_0, window_bounds = array<i64: 2, 1024, 128>}, {transform_indices = @transform_1, window_bounds = array<i64: 2, 1024, 128>}, {pipeline_mode = #tpu.pipeline_mode<synchronous>, transform_indices = @transform_2, window_bounds = array<i64: 1, 128>}, {pipeline_mode = #tpu.pipeline_mode<synchronous>, transform_indices = @transform_3, window_bounds = array<i64: 128, 128>}, {transform_indices = @transform_4, window_bounds = array<i64: 1024, 128>}]} {
    %get3A = arith.constant 0 : index
    %get3A_0 = arith.constant 0 : index
    %get3A_1 = arith.constant 0 : index
    %get3A_2 = vector.load %arg1[%get3A, %get3A_0, %get3A_1] : memref<2x1024x128xf32, #tpu.memory_space<vmem>>, vector<1x1024x128xf32>
    %get3A_3 = vector.shape_cast %get3A_2 : vector<1x1024x128xf32> to vector<1024x128xf32>
    %get3A_4 = arith.constant 1 : index
    %get3A_5 = arith.constant 0 : index
    %get3A_6 = arith.constant 0 : index
    %get3A_7 = vector.load %arg1[%get3A_4, %get3A_5, %get3A_6] : memref<2x1024x128xf32, #tpu.memory_space<vmem>>, vector<1x1024x128xf32>
    %get3A_8 = vector.shape_cast %get3A_7 : vector<1x1024x128xf32> to vector<1024x128xf32>
    %add3A = arith.addf %get3A_3, %get3A_8 : vector<1024x128xf32>
    %get3A_9 = arith.constant 0 : index
    %get3A_10 = arith.constant 0 : index
    %get3A_11 = arith.constant 0 : index
    %get3A_12 = vector.load %arg2[%get3A_9, %get3A_10, %get3A_11] : memref<2x1024x128xf32, #tpu.memory_space<vmem>>, vector<1x1024x128xf32>
    %get3A_13 = vector.shape_cast %get3A_12 : vector<1x1024x128xf32> to vector<1024x128xf32>
    %get3A_14 = arith.constant 1 : index
    %get3A_15 = arith.constant 0 : index
    %get3A_16 = arith.constant 0 : index
    %get3A_17 = vector.load %arg2[%get3A_14, %get3A_15, %get3A_16] : memref<2x1024x128xf32, #tpu.memory_space<vmem>>, vector<1x1024x128xf32>
    %get3A_18 = vector.shape_cast %get3A_17 : vector<1x1024x128xf32> to vector<1024x128xf32>
    %add3A_19 = arith.addf %get3A_13, %get3A_18 : vector<1024x128xf32>
    %slice3A = vector.extract_strided_slice %add3A_19 {offsets = [0, 1], sizes = [1024, 1], strides = [1, 1]} : vector<1024x128xf32> to vector<1024x1xf32>
    %max3A = arith.constant 1.000000e+00 : f32
    %max3A_20 = vector.broadcast %max3A : f32 to vector<1024x1xf32>
    %max3A_21 = arith.maximumf %slice3A, %max3A_20 : vector<1024x1xf32>
    %rsqrt3A = math.rsqrt %max3A_21 : vector<1024x1xf32>
    %mul3A = vector.broadcast %rsqrt3A : vector<1024x1xf32> to vector<1024x128xf32>
    %mul3A_22 = arith.mulf %add3A, %mul3A : vector<1024x128xf32>
    %get3A_23 = arith.constant 0 : index
    %get3A_24 = arith.constant 0 : index
    %get3A_25 = vector.load %arg3[%get3A_23, %get3A_24] : memref<1x128xf32, #tpu.memory_space<vmem>>, vector<1x128xf32>
    %add3A_26 = vector.broadcast %get3A_25 : vector<1x128xf32> to vector<1024x128xf32>
    %add3A_27 = arith.addf %mul3A_22, %add3A_26 : vector<1024x128xf32>
    %max3A_28 = arith.constant 0.000000e+00 : f32
    %max3A_29 = vector.broadcast %max3A_28 : f32 to vector<1024x128xf32>
    %max3A_30 = arith.maximumf %add3A_27, %max3A_29 : vector<1024x128xf32>
    %get3A_31 = arith.constant 0 : index
    %get3A_32 = arith.constant 0 : index
    %get3A_33 = arith.constant 0 : index
    %get3A_34 = vector.load %arg2[%get3A_31, %get3A_32, %get3A_33] : memref<2x1024x128xf32, #tpu.memory_space<vmem>>, vector<1x1024x128xf32>
    %get3A_35 = vector.shape_cast %get3A_34 : vector<1x1024x128xf32> to vector<1024x128xf32>
    %get3A_36 = arith.constant 1 : index
    %get3A_37 = arith.constant 0 : index
    %get3A_38 = arith.constant 0 : index
    %get3A_39 = vector.load %arg2[%get3A_36, %get3A_37, %get3A_38] : memref<2x1024x128xf32, #tpu.memory_space<vmem>>, vector<1x1024x128xf32>
    %get3A_40 = vector.shape_cast %get3A_39 : vector<1x1024x128xf32> to vector<1024x128xf32>
    %add3A_41 = arith.addf %get3A_35, %get3A_40 : vector<1024x128xf32>
    %slice3A_42 = vector.extract_strided_slice %add3A_41 {offsets = [0, 0], sizes = [1024, 1], strides = [1, 1]} : vector<1024x128xf32> to vector<1024x1xf32>
    %max3A_43 = arith.constant 1.000000e+00 : f32
    %max3A_44 = vector.broadcast %max3A_43 : f32 to vector<1024x1xf32>
    %max3A_45 = arith.maximumf %slice3A_42, %max3A_44 : vector<1024x1xf32>
    %rsqrt3A_46 = math.rsqrt %max3A_45 : vector<1024x1xf32>
    %mul3A_47 = vector.broadcast %rsqrt3A_46 : vector<1024x1xf32> to vector<1024x128xf32>
    %mul3A_48 = arith.mulf %max3A_30, %mul3A_47 : vector<1024x128xf32>
    %get3A_49 = arith.constant 0 : index
    %get3A_50 = arith.constant 0 : index
    %get3A_51 = vector.load %arg4[%get3A_49, %get3A_50] : memref<128x128xf32, #tpu.memory_space<vmem>>, vector<128x128xf32>
    %dot_general3A = arith.constant dense<0.000000e+00> : vector<1024x128xf32>
    %dot_general3A_52 = tpu.matmul %mul3A_48, %get3A_51, %dot_general3A {dimension_numbers = #tpu.dot_dimension_numbers<[1], [0], [0], [1], [0, 0, 1, 1], [], []>, transpose_lhs_hint = false} : vector<1024x128xf32>, vector<128x128xf32>, vector<1024x128xf32> -> vector<1024x128xf32>
    %swap3A = arith.constant 0 : index
    %swap3A_53 = arith.constant 0 : index
    %swap3A_54 = vector.load %arg5[%swap3A, %swap3A_53] : memref<1024x128xf32, #tpu.memory_space<vmem>>, vector<1024x128xf32>
    tpu.vector_store %arg5[%swap3A, %swap3A_53], %dot_general3A_52 {strides = array<i32>} : memref<1024x128xf32, #tpu.memory_space<vmem>>, vector<1024x128xf32>,
    return
  }
  func.func @transform_0(%arg0: i32) -> (i32, i32, i32) {
    %c0_i32 = arith.constant 0 : i32
    %c0_i32_0 = arith.constant 0 : i32
    %c0_i32_1 = arith.constant 0 : i32
    return %c0_i32, %arg0, %c0_i32_0 : i32, i32, i32
  }
  func.func @transform_1(%arg0: i32) -> (i32, i32, i32) {
    %c0_i32 = arith.constant 0 : i32
    %c0_i32_0 = arith.constant 0 : i32
    %c0_i32_1 = arith.constant 0 : i32
    return %c0_i32, %arg0, %c0_i32_0 : i32, i32, i32
  }
  func.func @transform_2(%arg0: i32) -> (i32, i32) {
    %c0_i32 = arith.constant 0 : i32
    %c0_i32_0 = arith.constant 0 : i32
    %c0_i32_1 = arith.constant 0 : i32
    return %c0_i32, %c0_i32_0 : i32, i32
  }
  func.func @transform_3(%arg0: i32) -> (i32, i32) {
    %c0_i32 = arith.constant 0 : i32
    %c0_i32_0 = arith.constant 0 : i32
    %c0_i32_1 = arith.constant 0 : i32
    return %c0_i32, %c0_i32_0 : i32, i32
  }
  func.func @transform_4(%arg0: i32) -> (i32, i32) {
    %c0_i32 = arith.constant 0 : i32
    %c0_i32_0 = arith.constant 0 : i32
    return %arg0, %c0_i32 : i32, i32
  }
}

module attributes {stable_mosaic.version = 14 : i64} {
  func.func @_post_body(%arg0: i32, %arg1: memref<2x1000x128xf32, #tpu.memory_space<vmem>>, %arg2: memref<2x1000x128xf32, #tpu.memory_space<vmem>>, %arg3: memref<1x128xf32, #tpu.memory_space<vmem>>, %arg4: memref<1000x128xf32, #tpu.memory_space<vmem>>) attributes {dimension_semantics = [#tpu.dimension_semantics<arbitrary>], iteration_bounds = array<i64: 10>, scalar_prefetch = 0 : i64, scratch_operands = 0 : i64, tpu.core_type = #tpu.core_type<tc>, window_params = [{transform_indices = @transform_0, window_bounds = array<i64: 2, 1000, 128>}, {transform_indices = @transform_1, window_bounds = array<i64: 2, 1000, 128>}, {pipeline_mode = #tpu.pipeline_mode<synchronous>, transform_indices = @transform_2, window_bounds = array<i64: 1, 128>}, {transform_indices = @transform_3, window_bounds = array<i64: 1000, 128>}]} {
    %get3A = arith.constant 0 : index
    %get3A_0 = arith.constant 0 : index
    %get3A_1 = arith.constant 0 : index
    %get3A_2 = vector.load %arg1[%get3A, %get3A_0, %get3A_1] : memref<2x1000x128xf32, #tpu.memory_space<vmem>>, vector<1x1000x128xf32>
    %get3A_3 = vector.shape_cast %get3A_2 : vector<1x1000x128xf32> to vector<1000x128xf32>
    %get3A_4 = arith.constant 1 : index
    %get3A_5 = arith.constant 0 : index
    %get3A_6 = arith.constant 0 : index
    %get3A_7 = vector.load %arg1[%get3A_4, %get3A_5, %get3A_6] : memref<2x1000x128xf32, #tpu.memory_space<vmem>>, vector<1x1000x128xf32>
    %get3A_8 = vector.shape_cast %get3A_7 : vector<1x1000x128xf32> to vector<1000x128xf32>
    %add3A = arith.addf %get3A_3, %get3A_8 : vector<1000x128xf32>
    %get3A_9 = arith.constant 0 : index
    %get3A_10 = arith.constant 0 : index
    %get3A_11 = arith.constant 0 : index
    %get3A_12 = vector.load %arg2[%get3A_9, %get3A_10, %get3A_11] : memref<2x1000x128xf32, #tpu.memory_space<vmem>>, vector<1x1000x128xf32>
    %get3A_13 = vector.shape_cast %get3A_12 : vector<1x1000x128xf32> to vector<1000x128xf32>
    %get3A_14 = arith.constant 1 : index
    %get3A_15 = arith.constant 0 : index
    %get3A_16 = arith.constant 0 : index
    %get3A_17 = vector.load %arg2[%get3A_14, %get3A_15, %get3A_16] : memref<2x1000x128xf32, #tpu.memory_space<vmem>>, vector<1x1000x128xf32>
    %get3A_18 = vector.shape_cast %get3A_17 : vector<1x1000x128xf32> to vector<1000x128xf32>
    %add3A_19 = arith.addf %get3A_13, %get3A_18 : vector<1000x128xf32>
    %slice3A = vector.extract_strided_slice %add3A_19 {offsets = [0, 1], sizes = [1000, 1], strides = [1, 1]} : vector<1000x128xf32> to vector<1000x1xf32>
    %max3A = arith.constant 1.000000e+00 : f32
    %max3A_20 = vector.broadcast %max3A : f32 to vector<1000x1xf32>
    %max3A_21 = arith.maximumf %slice3A, %max3A_20 : vector<1000x1xf32>
    %rsqrt3A = math.rsqrt %max3A_21 : vector<1000x1xf32>
    %mul3A = vector.broadcast %rsqrt3A : vector<1000x1xf32> to vector<1000x128xf32>
    %mul3A_22 = arith.mulf %add3A, %mul3A : vector<1000x128xf32>
    %get3A_23 = arith.constant 0 : index
    %get3A_24 = arith.constant 0 : index
    %get3A_25 = vector.load %arg3[%get3A_23, %get3A_24] : memref<1x128xf32, #tpu.memory_space<vmem>>, vector<1x128xf32>
    %add3A_26 = vector.broadcast %get3A_25 : vector<1x128xf32> to vector<1000x128xf32>
    %add3A_27 = arith.addf %mul3A_22, %add3A_26 : vector<1000x128xf32>
    %swap3A = arith.constant 0 : index
    %swap3A_28 = arith.constant 0 : index
    %swap3A_29 = vector.load %arg4[%swap3A, %swap3A_28] : memref<1000x128xf32, #tpu.memory_space<vmem>>, vector<1000x128xf32>
    tpu.vector_store %arg4[%swap3A, %swap3A_28], %add3A_27 {strides = array<i32>} : memref<1000x128xf32, #tpu.memory_space<vmem>>, vector<1000x128xf32>,
    return
  }
  func.func @transform_0(%arg0: i32) -> (i32, i32, i32) {
    %c0_i32 = arith.constant 0 : i32
    %c0_i32_0 = arith.constant 0 : i32
    %c0_i32_1 = arith.constant 0 : i32
    return %c0_i32, %arg0, %c0_i32_0 : i32, i32, i32
  }
  func.func @transform_1(%arg0: i32) -> (i32, i32, i32) {
    %c0_i32 = arith.constant 0 : i32
    %c0_i32_0 = arith.constant 0 : i32
    %c0_i32_1 = arith.constant 0 : i32
    return %c0_i32, %arg0, %c0_i32_0 : i32, i32, i32
  }
  func.func @transform_2(%arg0: i32) -> (i32, i32) {
    %c0_i32 = arith.constant 0 : i32
    %c0_i32_0 = arith.constant 0 : i32
    %c0_i32_1 = arith.constant 0 : i32
    return %c0_i32, %c0_i32_0 : i32, i32
  }
  func.func @transform_3(%arg0: i32) -> (i32, i32) {
    %c0_i32 = arith.constant 0 : i32
    %c0_i32_0 = arith.constant 0 : i32
    return %arg0, %c0_i32 : i32, i32
  }
}

</mosaic_0001>

<sc_bundles>
// kernel: kernel.11.cloned.1.call-start
scs
__scs_entry_jumppad:
0x0: {  	(pc) =	sbr.rel $0x88, $3  }
0x1: {  	(tag) =	ssettag $0x0;
	lr =	simm.s32 $0x1  }
0x2: {  	[smem:$0x3F9B] =	sst lr;
	_ =	strace $0xD0000000  }
0x3: {  	_ = 	snop  }
0x4: {  	_ = 	snop  }
0x5: {  	_ = 	snop  }
0x6: {  	_ = 	snop  }
0x7: {  	_ = 	snop  }
__scs_overlays_trampoline_lowered:
0x8: {  	[smem:$0x3FAA] =	sst s0  }
0x9: {  	[smem:$0x3FAB] =	sst s1  }
0xa: {  	[smem:$0x3FAC] =	sst s2  }
0xb: {  	[smem:$0x3FAD] =	sst s3  }
0xc: {  	[smem:$0x3FAE] =	sst s4  }
0xd: {  	[smem:$0x3FAF] =	sst s5  }
0xe: {  	[smem:$0x3FB0] =	sst s6  }
0xf: {  	[smem:$0x3FB1] =	sst s7  }
0x10: {  	[smem:$0x3FB2] =	sst s8  }
0x11: {  	[smem:$0x3FB3] =	sst s9;
	s0 =	simm.s32 @!p0 $0x0  }
0x12: {  	s1 =	sld [smem:$0x3F99];
	s0 =	simm.s32 @p0 $0x1  }
0x13: {  	[smem:$0x3FB4] =	sst s0;
	s0 =	simm.s32 @!p1 $0x0  }
0x14: {  	s2 =	sld [smem:$0x3F98];
	s0 =	simm.s32 @p1 $0x1  }
0x15: {  	[smem:$0x3FB5] =	sst s0;
	s0 =	simm.s32 @!p2 $0x0  }
0x16: {  	s3 =	sld [smem:$0x3FDB];
	s0 =	simm.s32 @p2 $0x1  }
0x17: {  	s4 =	simm.s32 $0x1BF5;
	[smem:$0x3FB7] =	sst s0  }
0x18: {  	s0 =	sld [smem:$0x3F9A];
	_ =	swait.ge [sflag:s4], $0x0  }
0x19: {  	s7 =	sld [smem:$0x3F9B]  }
0x1a: {  	s8 =	sadd.s32 $0xFFFFE003, lr  }
0x1b: {  	s9 =	sadd.s32 $0xFFFFFEF7, lr;
	s5 =	simm.s32 $0xFFFFFFFF;
	p2 =	slt.u32 s8, $0xFFFFF086  }
0x1c: {  	p1 =	slt.u32 s9, $0xF7A;
	s5 =	simm.s32 @!p2 $0x0  }
0x1d: {  	s5 =	simm.s32 @p1 $0x1;
	p0 =	seq.s32 s7, s2  }
0x1e: {  	s7 =	smul.u32 @!p0 $0xF7A, s2;
	p2 =	seq.s32 @!p0 s5, $0x0  }
0x1f: {  	s9 =	smul.u32 $0xF7A, s1;
	s8 =	simm.s32 @!p0 $0x1BF5;
	p2 =	por !p2, p0  }
0x20: {  	[sflag:s8] =	ssyncset.s32 @!p0 $0xFFFFF086;
	s6 =	sadd.s32 @!p0 s3, s7;
	s7 =	simm.s32 @!p0 $0x108  }
0x21: {  	s3 =	sadd.s32 s3, s9;
	s6 =	sadd.s32 @!p0 $0x88, s6;
	s7 =	simm.s32 @p2 $0x1082  }
0x22: {  	[simem:s7], [sflag:s8] =	dma.local @!p0 [hbm:s6], $0xF7A  }
0x23: {  	s9 =	sor.u32 $0xD0000000, s2;
	s6 =	simm.s32 $0x108;
	_ =	swait.ge @!p0 [sflag:s8], $0x0  }
0x24: {  	s3 =	sadd.s32 $0x88, s3;
	s6 =	simm.s32 @!p1 $0x1082;
	[sflag:s4] =	ssyncset.s32 $0xFFFFF086  }
0x25: {  	[simem:s6], [sflag:s4] =	dma.local [hbm:s3], $0xF7A  }
0x26: {  	[smem:$0x3F9B] =	sst s1;
	(tag) =	ssettag s2;
	_ =	strace s9  }
0x27: {  	s1 =	sld [smem:$0x3FAB]  }
0x28: {  	s2 =	sld [smem:$0x3FAC]  }
0x29: {  	s4 =	sld [smem:$0x3FAE]  }
0x2a: {  	p0 =	seq.s32 s5, $0x0;
	s5 =	sld [smem:$0x3FAF]  }
0x2b: {  	s6 =	sld [smem:$0x3FB0]  }
0x2c: {  	s7 =	sld [smem:$0x3FB1]  }
0x2d: {  	s3 =	simm.s32 $0x108;
	s8 =	sld [smem:$0x3FB2]  }
0x2e: {  	s3 =	simm.s32 @!p0 $0x1082;
	s9 =	sld [smem:$0x3FB3]  }
0x2f: {  	lr =	sadd.s32 s0, s3;
	s0 =	sld [smem:$0x3FAA]  }
0x30: {  	s3 =	sld [smem:$0x3FAD]  }
0x31: {  	[smem:$0x3FB6] =	sst s10  }
0x32: {  	s10 =	sld [smem:$0x3FB4];
	_ =	sdelay $0x3  }
0x33: {  	p0 =	seq.s32 s10, $0x1;
	s10 =	sld [smem:$0x3FB6];
	_ =	sdelay $0x3  }
0x34: {  	[smem:$0x3FB6] =	sst s10  }
0x35: {  	s10 =	sld [smem:$0x3FB5];
	_ =	sdelay $0x3  }
0x36: {  	p1 =	seq.s32 s10, $0x1;
	s10 =	sld [smem:$0x3FB6];
	_ =	sdelay $0x3  }
0x37: {  	[smem:$0x3FB6] =	sst s10  }
0x38: {  	s10 =	sld [smem:$0x3FB7]  }
0x39: {  	_ = 	snop;
	(pc) =	sbr.ind lr, $3  }
0x3a: {  	_ = 	snop  }
0x3b: {  	_ = 	snop  }
0x3c: {  	p2 =	seq.s32 s10, $0x1;
	s10 =	sld [smem:$0x3FB6]  }
0x3d: {  	_ =	shalt  }
0x3e: {  	_ =	shalt  }
0x3f: {  	_ =	shalt  }
0x40: {  	_ =	shalt  }
0x41: {  	_ =	shalt  }
0x42: {  	_ =	shalt  }
0x43: {  	_ =	shalt  }
0x44: {  	_ =	shalt  }
0x45: {  	_ =	shalt  }
0x46: {  	_ =	shalt  }
0x47: {  	_ =	shalt  }
0x48: {  	_ =	shalt  }
0x49: {  	_ =	shalt  }
0x4a: {  	_ =	shalt  }
0x4b: {  	_ =	shalt  }
0x4c: {  	_ =	shalt  }
0x4d: {  	_ =	shalt  }
0x4e: {  	_ =	shalt  }
0x4f: {  	_ =	shalt  }
0x50: {  	_ =	shalt  }
0x51: {  	_ =	shalt  }
0x52: {  	_ =	shalt  }
0x53: {  	_ =	shalt  }
0x54: {  	_ =	shalt  }
0x55: {  	_ =	shalt  }
0x56: {  	_ =	shalt  }
0x57: {  	_ =	shalt  }
0x58: {  	_ =	shalt  }
0x59: {  	_ =	shalt  }
0x5a: {  	_ =	shalt  }
0x5b: {  	_ =	shalt  }
0x5c: {  	_ =	shalt  }
0x5d: {  	_ =	shalt  }
0x5e: {  	_ =	shalt  }
0x5f: {  	_ =	shalt  }
0x60: {  	_ =	shalt  }
0x61: {  	_ =	shalt  }
0x62: {  	_ =	shalt  }
0x63: {  	_ =	shalt  }
0x64: {  	_ =	shalt  }
0x65: {  	_ =	shalt  }
0x66: {  	_ =	shalt  }
0x67: {  	_ =	shalt  }
0x68: {  	_ =	shalt  }
0x69: {  	_ =	shalt  }
0x6a: {  	_ =	shalt  }
0x6b: {  	_ =	shalt  }
0x6c: {  	_ =	shalt  }
0x6d: {  	_ =	shalt  }
0x6e: {  	_ =	shalt  }
0x6f: {  	_ =	shalt  }
0x70: {  	_ =	shalt  }
0x71: {  	_ =	shalt  }
0x72: {  	_ =	shalt  }
0x73: {  	_ =	shalt  }
0x74: {  	_ =	shalt  }
0x75: {  	_ =	shalt  }
0x76: {  	_ =	shalt  }
0x77: {  	_ =	shalt  }
0x78: {  	_ =	shalt  }
0x79: {  	_ =	shalt  }
0x7a: {  	_ =	shalt  }
0x7b: {  	_ =	shalt  }
0x7c: {  	_ =	shalt  }
0x7d: {  	_ =	shalt  }
0x7e: {  	_ =	shalt  }
0x7f: {  	_ =	shalt  }
0x80: {  	_ =	shalt  }
0x81: {  	_ =	shalt  }
0x82: {  	_ =	shalt  }
0x83: {  	_ =	shalt  }
0x84: {  	_ =	shalt  }
0x85: {  	_ =	shalt  }
0x86: {  	_ =	shalt  }
0x87: {  	_ =	shalt  }
.Lfunc_end0:
.L_simem_size_0:
called_computation.1_lowered:
.L_overlay_start_0:
0x88: {  	s2 =	sld [smem:$0x3FD9]  }
0x89: {  	s3 =	sld [smem:$0x3FFE];
	_ =	sdelay $0x1  }
0x8a: {  	s1 =	srdreg.scid  }
0x8b: {  	s0 =	sand.u32 $0x1, s1  }
0x8c: {  	s17 =	sshll.u32 s0, $0xA;
	s2 =	sadd.s32 s3, s2  }
0x8d: {  	s2 =	sadd.s32 s2, s17  }
0x8e: {  	[smem:$0x3FC2] =	sst s2  }
0x8f: {  	_ = 	snop  }
0x90: {  	s2 =	sld [smem:$0x3FD0];
	(tm) =	ssettm $0x1  }
0x91: {  	s18 =	sld [smem:$0x3FFB];
	_ =	sdelay $0x3  }
0x92: {  	_ =	strace s18  }
0x93: {  	s3 =	sld [smem:$0x3FFC];
	_ =	sdelay $0x3  }
0x94: {  	_ =	strace s3  }
0x95: {  	s3 =	sld [smem:$0x3FFD];
	_ =	sdelay $0x3  }
0x96: {  	_ =	strace s3  }
0x97: {  	_ =	strace $0x8FFFFFFF  }
0x98: {  	s19 =	sld [smem:$0x3FDB];
	_ =	sdelay $0x1  }
0x99: {  	s4 =	simm.s32 $_scs_section_size  }
0x9a: {  	s5 =	simm.s32 $_size__tile_overlayer_lowered;
	s6 =	simm.s32 $_tile_overlayer_lowered  }
0x9b: {  	s22 =	simm.s32 $0x1BFF;
	s21 =	sshll.u32 s6, $0x1;
	s3 =	sadd.s32 s4, s19  }
0x9c: {  	s7 =	simm.s32 $0x0;
	s20 =	sshll.u32 s5, $0x1;
	s5 =	sadd.s32 s21, s3  }
0x9d: {  	[timem:s7], [sflag:s22] =	dma.local [hbm:s5], s20  }
0x9e: {  	_ =	swait.ge [sflag:s22], s20  }
0x9f: {  	s4 =	ssub.s32 $0x0, s20;
	[sflag:s22] =	ssyncset.done $0x0  }
0xa0: {  	[sflag:s22] =	ssyncadd.s32 s4;
	_ =	sdelay $0x1  }
0xa1: {  	s23 =	simm.s32 $0x1B8B  }
0xa2: {  	_ =	swait.ge [sflag:s23], $0x1  }
0xa3: {  	[sflag:s23] =	ssyncset.done $0x0  }
0xa4: {  	s25 =	simm.s32 $0x1B8E;
	s24 =	sld [smem:$0x3FFE];
	[sflag:s23] =	ssyncadd.s32 $0xFFFFFFFF  }
0xa5: {  	s26 =	simm.s32 $execute0_lowered;
	[smem:$0x3FD2] =	sst s25  }
0xa6: {  	s5 =	sshll.u32 s26, $0x1;
	_ =	strace $0x80000049;
	[dreg:$0x1] =	wrdreg $0xFFFFFFFF  }
0xa7: {  	s28 =	simm.s32 $_size_execute0_lowered;
	s3 =	sadd.s32 s3, s5;
	[dreg:$0x0] =	wrdreg $0x0  }
0xa8: {  	s5 =	sshll.u32 s28, $0x1;
	[dreg:$0x2] =	wrdreg s3  }
0xa9: {  	[dreg:$0x3] =	wrdreg s5  }
0xaa: {  	[dreg:$0x4] =	wrdreg $0xC0  }
0xab: {  	_ =	task [dreg:s7], $0x5FFFF  }
0xac: {  	[dreg:$0x1] =	wrdreg $0xFFFFFFFF  }
0xad: {  	[dreg:$0x0] =	wrdreg $0x60  }
0xae: {  	[dreg:$0x2] =	wrdreg s24  }
0xaf: {  	[dreg:$0x3] =	wrdreg s2  }
0xb0: {  	[dreg:$0x4] =	wrdreg $0x0  }
0xb1: {  	[dreg:$0x5] =	wrdreg $0x9  }
0xb2: {  	_ =	task.clear_ibuf [dreg:s7], $0x6FFFF;
	_ =	strace $0x90000049  }
0xb3: {  	s29 =	simm.s32 $0x9;
	_ =	strace $0x8000004B  }
0xb4: {  	_ =	swait.ge [sflag:s29], $0x1  }
0xb5: {  	[sflag:s29] =	ssyncadd.s32 $0xFFFFFFFF  }
0xb6: {  	_ =	strace $0x9000004B  }
0xb7: {  	_ =	sfence  }
0xb8: {  	s30 =	sld [smem:$0x0];
	_ =	sdelay $0x2  }
0xb9: {  	s31 =	sshll.u32 s1, $0xD;
	s1 =	sshrl.u32 s1, $0x2  }
0xba: {  	s3 =	sand.u32 $0x4000, s31;
	s1 =	sadd.s32 s1, s30  }
0xbb: {  	s0 =	sor.u32 s3, s0;
	s1 =	sshll.u32 s1, $0x11  }
0xbc: {  	s0 =	sor.u32 s1, s0  }
0xbd: {  	s0 =	sadd.s32 $0x8F2B, s0  }
0xbe: {  	[sflag:s0] =	ssyncadd.remote.s32 $0x1  }
0xbf: {  	_ =	sfence.sel $0xFFFF  }
0xc0: {  	[dreg:$0x0] =	wrdreg $0xFFFFFFFF;
	(pc) =	sbr.abs _section_cstart, $3  }
0xc1: {  	[dreg:$0x1] =	wrdreg $0xFFFFFFFF  }
0xc2: {  	_ =	task.clear_ibuf [dreg:s7], $0x2FFFF;
	_ =	strace $0x9FFFFFFF  }
0xc3: {  	(tm) =	ssettm $0x7FFFFFFF  }
tec
execute0_lowered:
.L_overlay_start_1:
0x0: {  	(tag) =	ssettag $0x1  }
0x1: {  	s5 =	rddreg [dreg:$0x0]  }
0x2: {  	s14 =	rddreg [dreg:$0x1]  }
0x3: {  	s1 =	rddreg [dreg:$0x2]  }
0x4: {  	s2 =	srdreg.scid;
	s0 =	rddreg [dreg:$0x3]  }
0x5: {  	s3 =	simm.s32 $0x0;
	s17 =	simm.s32 $0x3;
	s18 =	simm.s32 $0x1C000  }
0x6: {  	s19 =	simm.s32 $0x1D400;
	s20 =	simm.s32 $0x80;
	s21 =	simm.s32 $0x1  }
0x7: {  	s22 =	simm.s32 $0x18000;
	s23 =	simm.s32 $0x2;
	s24 =	simm.s32 $0x1D380  }
0x8: {  	s25 =	simm.s32 $0x1E700;
	s6 =	sand.u32 $0x1, s2;
	s2 =	stileid.u32  }
0x9: {  	s26 =	simm.s32 $0x1E780;
	[smem:$0x7FF] =	sst s3;
	s7 =	smul.u32 $0x28000, s6  }
0xa: {  	s4 =	sadd.s32 $0x5D000, s5;
	s15 =	sadd.s32 $0x2C00, s5;
	s8 =	smul.u32 $0x2800, s2  }
0xb: {  	s29 =	ssub.s32 $0x2, s6;
	s9 =	smul.u32 $0x50000, s2;
	s6 =	sshll.u32 s6, $0x4  }
0xc: {  	_ =	strace $0x8000004A;
	s30 =	sshrl.u32 s29, $0x1;
	s10 =	sor.u32 s2, s6  }
0xd: {  	s7 =	sadd.s32 s8, s7;
	s8 =	ssub.s32 s29, s30;
	s31 =	sshrl.u32 s9, $0x2  }
0xe: {  	s13 =	smul.u32 $0x500, s10;
	s7 =	sadd.s32 s7, s5;
	s5 =	sadd.s32 s31, s1  }
0xf: {  	s6 =	sadd.s32 $0x85000, s7;
	s7 =	smax.u32 s8, $0x1;
	s8 =	sadd.s32 $0x4000, s5  }
0x10: {  	s9 =	sadd.s32 $0x8000, s5;
	s10 =	sadd.s32 $0xC000, s5;
	s11 =	sadd.s32 $0x10000, s5  }
0x11: {  	s16 =	sadd.s32 $0x280, s13;
	s12 =	sadd.s32 s14, s13;
	s13 =	sadd.s32 s15, s13  }
0x12: {  	v0 =	vimm.f32 $0.0e+00;
	s14 =	sadd.s32 s14, s16;
	s15 =	sadd.s32 s15, s16;
	s16 =	simm.s32 $0x14000  }
.LBB2_1:
0x13: {  	s28 =	simm.s32 $0x0;
	s29 =	simm.s32 $0x200  }
.LBB2_2:
0x14: {  	p0 =	sne.s32 s29, $0xFE00;
	[tilespmem:s28+$0x14070] =	vst v0  }
0x15: {  	[tilespmem:s28+$0x14000] =	vst v0  }
0x16: {  	[tilespmem:s28+$0x14010] =	vst v0  }
.Ltmp0:
0x17: {  	[tilespmem:s28+$0x14020] =	vst v0;
	(pc) =	sbr.rel @p0 .LBB2_2-.Ltmp0, $4  }
0x18: {  	[tilespmem:s28+$0x14030] =	vst v0  }
0x19: {  	[tilespmem:s28+$0x14040] =	vst v0  }
0x1a: {  	[tilespmem:s28+$0x14050] =	vst v0  }
0x1b: {  	[tilespmem:s28+$0x14060] =	vst v0;
	s28 =	sshra.s32 s29, $0x2;
	s29 =	sadd.s32 $0x200, s29  }
0x1c: {  	[tilespmem:s28+$0x14070] =	vst v0  }
0x1d: {  	[tilespmem:s28+$0x14000] =	vst v0  }
0x1e: {  	[tilespmem:s28+$0x14010] =	vst v0  }
0x1f: {  	[tilespmem:s28+$0x14020] =	vst v0  }
0x20: {  	[tilespmem:s28+$0x14030] =	vst v0  }
0x21: {  	[tilespmem:s28+$0x14040] =	vst v0  }
0x22: {  	[tilespmem:s28+$0x14050] =	vst v0  }
0x23: {  	[tilespmem:s28+$0x14060] =	vst v0  }
0x24: {  	[spmem:s5] =	stream.linear.scatter [tilespmem:s16], [sflag:$0x3], $0x4000, $0x38;
	[tilespmem:$0x1E800] =	vst v63  }
0x25: {  	_ =	swait.ge [sflag:s17], $0x4000  }
0x26: {  	[sflag:s17] =	ssyncset.done $0x0  }
0x27: {  	[sflag:s17] =	ssyncadd.s32 $0xFFFFC000  }
0x28: {  	[spmem:s8] =	stream.linear.scatter [tilespmem:s16], [sflag:$0x3], $0x4000, $0x38;
	[tilespmem:$0x1E800] =	vst v63  }
0x29: {  	_ =	swait.ge [sflag:s17], $0x4000  }
0x2a: {  	[sflag:s17] =	ssyncset.done $0x0  }
0x2b: {  	[sflag:s17] =	ssyncadd.s32 $0xFFFFC000  }
0x2c: {  	[spmem:s9] =	stream.linear.scatter [tilespmem:s16], [sflag:$0x3], $0x4000, $0x38;
	[tilespmem:$0x1E800] =	vst v63  }
0x2d: {  	_ =	swait.ge [sflag:s17], $0x4000  }
0x2e: {  	[sflag:s17] =	ssyncset.done $0x0  }
0x2f: {  	[sflag:s17] =	ssyncadd.s32 $0xFFFFC000  }
0x30: {  	[spmem:s10] =	stream.linear.scatter [tilespmem:s16], [sflag:$0x3], $0x4000, $0x38;
	[tilespmem:$0x1E800] =	vst v63  }
0x31: {  	_ =	swait.ge [sflag:s17], $0x4000  }
0x32: {  	[sflag:s17] =	ssyncset.done $0x0  }
0x33: {  	[sflag:s17] =	ssyncadd.s32 $0xFFFFC000  }
0x34: {  	[spmem:s11] =	stream.linear.scatter [tilespmem:s16], [sflag:$0x3], $0x4000, $0x38;
	[tilespmem:$0x1E800] =	vst v63  }
0x35: {  	_ =	swait.ge [sflag:s17], $0x4000  }
0x36: {  	[sflag:s17] =	ssyncset.done $0x0  }
0x37: {  	[sflag:s17] =	ssyncadd.s32 $0xFFFFC000  }
0x38: {  	s28 =	simm.s32 $0x0;
	[bflag:$0x0] =	sbarrier.arrive $0xFFFF  }
0x39: {  	[tilespmem:s18], [sflag:$0x3] =	stream.linear.gather [hbm4b:s12+s28], $0x1400, $0x38;
	[tilespmem:$0x1E800] =	vst v63  }
0x3a: {  	_ =	swait.ge [sflag:s17], $0x1400  }
0x3b: {  	[sflag:s17] =	ssyncset.done $0x0  }
0x3c: {  	[sflag:s17] =	ssyncadd.s32 $0xFFFFEC00  }
0x3d: {  	[tilespmem:s19], [sflag:$0x3] =	stream.linear.gather [hbm4b:s13+s28], $0x1400, $0x38;
	[tilespmem:$0x1E800] =	vst v63  }
0x3e: {  	_ =	swait.ge [sflag:s17], $0x1400  }
0x3f: {  	[sflag:s17] =	ssyncset.done $0x0  }
0x40: {  	[sflag:s17] =	ssyncadd.s32 $0xFFFFEC00  }
0x41: {  	[tilespmem:s16], [sflag:$0x1] =	stream.indirect.gather [hbm4b:s4+s20], $0x80, s18, s20, $0xb8;
	[tilespmem:$0x1E800] =	vst v63  }
0x42: {  	_ =	swait.ge [sflag:s21], $0x4000  }
0x43: {  	[sflag:s21] =	ssyncset.done $0x0  }
0x44: {  	s28 =	simm.s32 $0x1C080;
	[sflag:s21] =	ssyncadd.s32 $0xFFFFC000  }
0x45: {  	[tilespmem:s22], [sflag:$0x2] =	stream.indirect.gather [hbm4b:s4+s20], $0x80, s28, s20, $0xb8;
	[tilespmem:$0x1E800] =	vst v63  }
0x46: {  	s28 =	simm.s32 $0x1D400  }
0x47: {  	[spmem:s1] =	stream.indirect.scatter.add.f32 [tilespmem:s16], [sflag:$0x3], $0x80, s28, s20, $0xb8;
	[tilespmem:$0x1E800] =	vst v63  }
0x48: {  	_ =	swait.ge [sflag:s17], $0x4000  }
0x49: {  	[sflag:s17] =	ssyncset.done $0x0  }
0x4a: {  	[sflag:s17] =	ssyncadd.s32 $0xFFFFC000  }
0x4b: {  	_ =	swait.ge [sflag:s23], $0x4000  }
0x4c: {  	[sflag:s23] =	ssyncset.done $0x0  }
0x4d: {  	s28 =	simm.s32 $0x1C100;
	[sflag:s23] =	ssyncadd.s32 $0xFFFFC000  }
0x4e: {  	[tilespmem:s16], [sflag:$0x1] =	stream.indirect.gather [hbm4b:s4+s20], $0x80, s28, s20, $0xb8;
	[tilespmem:$0x1E800] =	vst v63  }
0x4f: {  	s28 =	simm.s32 $0x1D480  }
0x50: {  	[spmem:s1] =	stream.indirect.scatter.add.f32 [tilespmem:s22], [sflag:$0x3], $0x80, s28, s20, $0xb8;
	[tilespmem:$0x1E800] =	vst v63  }
0x51: {  	_ =	swait.ge [sflag:s17], $0x4000  }
0x52: {  	s28 =	simm.s32 $0x400;
	[sflag:s17] =	ssyncset.done $0x0  }
.LBB2_4:
0x53: {  	p0 =	sne.s32 s28, $0x4800  }
0x54: {  	[sflag:s17] =	ssyncadd.s32 $0xFFFFC000;
	s29 =	smov.u32 s28;
	s28 =	sadd.s32 $0x400, s28  }
0x55: {  	_ = 	snop  }
0x56: {  	_ =	swait.ge [sflag:s21], $0x4000  }
0x57: {  	s29 =	sshra.s32 s29, $0x2;
	[sflag:s21] =	ssyncset.done $0x0  }
0x58: {  	s30 =	sadd.s32 $0x1C080, s29;
	[sflag:s21] =	ssyncadd.s32 $0xFFFFC000  }
0x59: {  	[tilespmem:s22], [sflag:$0x2] =	stream.indirect.gather [hbm4b:s4+s20], $0x80, s30, s20, $0xb8;
	[tilespmem:$0x1E800] =	vst v63  }
0x5a: {  	s30 =	sadd.s32 $0x1D400, s29  }
0x5b: {  	[spmem:s1] =	stream.indirect.scatter.add.f32 [tilespmem:s16], [sflag:$0x3], $0x80, s30, s20, $0xb8;
	[tilespmem:$0x1E800] =	vst v63  }
0x5c: {  	_ =	swait.ge [sflag:s17], $0x4000  }
0x5d: {  	[sflag:s17] =	ssyncset.done $0x0  }
0x5e: {  	[sflag:s17] =	ssyncadd.s32 $0xFFFFC000  }
0x5f: {  	_ =	swait.ge [sflag:s23], $0x4000  }
0x60: {  	[sflag:s23] =	ssyncset.done $0x0  }
0x61: {  	s30 =	sadd.s32 $0x1C100, s29;
	[sflag:s23] =	ssyncadd.s32 $0xFFFFC000  }
0x62: {  	[tilespmem:s16], [sflag:$0x1] =	stream.indirect.gather [hbm4b:s4+s20], $0x80, s30, s20, $0xb8;
	[tilespmem:$0x1E800] =	vst v63  }
.Ltmp1:
0x63: {  	_ = 	snop;
	(pc) =	sbr.rel @p0 .LBB2_4-.Ltmp1, $4  }
0x64: {  	s29 =	sadd.s32 $0x1D480, s29  }
0x65: {  	[spmem:s1] =	stream.indirect.scatter.add.f32 [tilespmem:s22], [sflag:$0x3], $0x80, s29, s20, $0xb8;
	[tilespmem:$0x1E800] =	vst v63  }
0x66: {  	_ =	swait.ge [sflag:s17], $0x4000  }
0x67: {  	[sflag:s17] =	ssyncset.done $0x0  }
0x68: {  	[sflag:s17] =	ssyncadd.s32 $0xFFFFC000  }
0x69: {  	_ =	swait.ge [sflag:s21], $0x4000  }
0x6a: {  	[sflag:s21] =	ssyncset.done $0x0  }
0x6b: {  	[sflag:s21] =	ssyncadd.s32 $0xFFFFC000  }
0x6c: {  	[tilespmem:s22], [sflag:$0x2] =	stream.indirect.gather [hbm4b:s4+s20], $0x80, s24, s20, $0xb8;
	[tilespmem:$0x1E800] =	vst v63  }
0x6d: {  	_ = 	snop  }
0x6e: {  	[spmem:s1] =	stream.indirect.scatter.add.f32 [tilespmem:s16], [sflag:$0x3], $0x80, s25, s20, $0xb8;
	[tilespmem:$0x1E800] =	vst v63  }
0x6f: {  	_ =	swait.ge [sflag:s17], $0x4000  }
0x70: {  	[sflag:s17] =	ssyncset.done $0x0  }
0x71: {  	[sflag:s17] =	ssyncadd.s32 $0xFFFFC000  }
0x72: {  	_ =	swait.ge [sflag:s23], $0x4000  }
0x73: {  	[sflag:s23] =	ssyncset.done $0x0  }
0x74: {  	[sflag:s23] =	ssyncadd.s32 $0xFFFFC000  }
0x75: {  	[spmem:s1] =	stream.indirect.scatter.add.f32 [tilespmem:s22], [sflag:$0x3], $0x80, s26, s20, $0xb8;
	[tilespmem:$0x1E800] =	vst v63  }
0x76: {  	_ =	swait.ge [sflag:s17], $0x4000  }
0x77: {  	[sflag:s17] =	ssyncset.done $0x0  }
0x78: {  	s28 =	simm.s32 $0x0;
	[sflag:s17] =	ssyncadd.s32 $0xFFFFC000  }
0x79: {  	[tilespmem:s18], [sflag:$0x3] =	stream.linear.gather [hbm4b:s14+s28], $0x1400, $0x38;
	[tilespmem:$0x1E800] =	vst v63  }
0x7a: {  	_ =	swait.ge [sflag:s17], $0x1400  }
0x7b: {  	[sflag:s17] =	ssyncset.done $0x0  }
0x7c: {  	[sflag:s17] =	ssyncadd.s32 $0xFFFFEC00  }
0x7d: {  	[tilespmem:s19], [sflag:$0x3] =	stream.linear.gather [hbm4b:s15+s28], $0x1400, $0x38;
	[tilespmem:$0x1E800] =	vst v63  }
0x7e: {  	_ =	swait.ge [sflag:s17], $0x1400  }
0x7f: {  	[sflag:s17] =	ssyncset.done $0x0  }
0x80: {  	[sflag:s17] =	ssyncadd.s32 $0xFFFFEC00  }
0x81: {  	[tilespmem:s16], [sflag:$0x1] =	stream.indirect.gather [hbm4b:s4+s20], $0x80, s18, s20, $0xb8;
	[tilespmem:$0x1E800] =	vst v63  }
0x82: {  	_ =	swait.ge [sflag:s21], $0x4000  }
0x83: {  	[sflag:s21] =	ssyncset.done $0x0  }
0x84: {  	s28 =	simm.s32 $0x1C080;
	[sflag:s21] =	ssyncadd.s32 $0xFFFFC000  }
0x85: {  	[tilespmem:s22], [sflag:$0x2] =	stream.indirect.gather [hbm4b:s4+s20], $0x80, s28, s20, $0xb8;
	[tilespmem:$0x1E800] =	vst v63  }
0x86: {  	s28 =	simm.s32 $0x1D400  }
0x87: {  	[spmem:s1] =	stream.indirect.scatter.add.f32 [tilespmem:s16], [sflag:$0x3], $0x80, s28, s20, $0xb8;
	[tilespmem:$0x1E800] =	vst v63  }
0x88: {  	_ =	swait.ge [sflag:s17], $0x4000  }
0x89: {  	[sflag:s17] =	ssyncset.done $0x0  }
0x8a: {  	[sflag:s17] =	ssyncadd.s32 $0xFFFFC000  }
0x8b: {  	_ =	swait.ge [sflag:s23], $0x4000  }
0x8c: {  	[sflag:s23] =	ssyncset.done $0x0  }
0x8d: {  	s28 =	simm.s32 $0x1C100;
	[sflag:s23] =	ssyncadd.s32 $0xFFFFC000  }
0x8e: {  	[tilespmem:s16], [sflag:$0x1] =	stream.indirect.gather [hbm4b:s4+s20], $0x80, s28, s20, $0xb8;
	[tilespmem:$0x1E800] =	vst v63  }
0x8f: {  	s28 =	simm.s32 $0x1D480  }
0x90: {  	[spmem:s1] =	stream.indirect.scatter.add.f32 [tilespmem:s22], [sflag:$0x3], $0x80, s28, s20, $0xb8;
	[tilespmem:$0x1E800] =	vst v63  }
0x91: {  	_ =	swait.ge [sflag:s17], $0x4000  }
0x92: {  	s28 =	simm.s32 $0x400;
	[sflag:s17] =	ssyncset.done $0x0  }
.LBB2_6:
0x93: {  	p0 =	sne.s32 s28, $0x4800  }
0x94: {  	[sflag:s17] =	ssyncadd.s32 $0xFFFFC000;
	s29 =	smov.u32 s28;
	s28 =	sadd.s32 $0x400, s28  }
0x95: {  	_ = 	snop  }
0x96: {  	_ =	swait.ge [sflag:s21], $0x4000  }
0x97: {  	s29 =	sshra.s32 s29, $0x2;
	[sflag:s21] =	ssyncset.done $0x0  }
0x98: {  	s30 =	sadd.s32 $0x1C080, s29;
	[sflag:s21] =	ssyncadd.s32 $0xFFFFC000  }
0x99: {  	[tilespmem:s22], [sflag:$0x2] =	stream.indirect.gather [hbm4b:s4+s20], $0x80, s30, s20, $0xb8;
	[tilespmem:$0x1E800] =	vst v63  }
0x9a: {  	s30 =	sadd.s32 $0x1D400, s29  }
0x9b: {  	[spmem:s1] =	stream.indirect.scatter.add.f32 [tilespmem:s16], [sflag:$0x3], $0x80, s30, s20, $0xb8;
	[tilespmem:$0x1E800] =	vst v63  }
0x9c: {  	_ =	swait.ge [sflag:s17], $0x4000  }
0x9d: {  	[sflag:s17] =	ssyncset.done $0x0  }
0x9e: {  	[sflag:s17] =	ssyncadd.s32 $0xFFFFC000  }
0x9f: {  	_ =	swait.ge [sflag:s23], $0x4000  }
0xa0: {  	[sflag:s23] =	ssyncset.done $0x0  }
0xa1: {  	s30 =	sadd.s32 $0x1C100, s29;
	[sflag:s23] =	ssyncadd.s32 $0xFFFFC000  }
0xa2: {  	[tilespmem:s16], [sflag:$0x1] =	stream.indirect.gather [hbm4b:s4+s20], $0x80, s30, s20, $0xb8;
	[tilespmem:$0x1E800] =	vst v63  }
.Ltmp2:
0xa3: {  	_ = 	snop;
	(pc) =	sbr.rel @p0 .LBB2_6-.Ltmp2, $4  }
0xa4: {  	s29 =	sadd.s32 $0x1D480, s29  }
0xa5: {  	[spmem:s1] =	stream.indirect.scatter.add.f32 [tilespmem:s22], [sflag:$0x3], $0x80, s29, s20, $0xb8;
	[tilespmem:$0x1E800] =	vst v63  }
0xa6: {  	_ =	swait.ge [sflag:s17], $0x4000  }
0xa7: {  	[sflag:s17] =	ssyncset.done $0x0  }
0xa8: {  	[sflag:s17] =	ssyncadd.s32 $0xFFFFC000  }
0xa9: {  	_ =	swait.ge [sflag:s21], $0x4000  }
0xaa: {  	[sflag:s21] =	ssyncset.done $0x0  }
0xab: {  	[sflag:s21] =	ssyncadd.s32 $0xFFFFC000  }
0xac: {  	[tilespmem:s22], [sflag:$0x2] =	stream.indirect.gather [hbm4b:s4+s20], $0x80, s24, s20, $0xb8;
	[tilespmem:$0x1E800] =	vst v63  }
0xad: {  	_ = 	snop  }
0xae: {  	[spmem:s1] =	stream.indirect.scatter.add.f32 [tilespmem:s16], [sflag:$0x3], $0x80, s25, s20, $0xb8;
	[tilespmem:$0x1E800] =	vst v63  }
0xaf: {  	_ =	swait.ge [sflag:s17], $0x4000  }
0xb0: {  	[sflag:s17] =	ssyncset.done $0x0  }
0xb1: {  	[sflag:s17] =	ssyncadd.s32 $0xFFFFC000  }
0xb2: {  	_ =	swait.ge [sflag:s23], $0x4000  }
0xb3: {  	[sflag:s23] =	ssyncset.done $0x0  }
0xb4: {  	[sflag:s23] =	ssyncadd.s32 $0xFFFFC000  }
0xb5: {  	[spmem:s1] =	stream.indirect.scatter.add.f32 [tilespmem:s22], [sflag:$0x3], $0x80, s26, s20, $0xb8;
	[tilespmem:$0x1E800] =	vst v63  }
0xb6: {  	_ =	swait.ge [sflag:s17], $0x4000  }
0xb7: {  	s28 =	sshll.u32 s2, $0x6;
	s3 =	sadd.s32 $0x1, s3;
	[sflag:s17] =	ssyncset.done $0x0  }
0xb8: {  	s29 =	sshrl.u32 s5, $0x3;
	p0 =	sne.s32 s3, s7;
	[sflag:s17] =	ssyncadd.s32 $0xFFFFC000  }
.Ltmp3:
0xb9: {  	s28 =	sor.u32 $0x1C03, s28;
	[bflag:$0x0] =	sbarrier.arrive $0xFFFF;
	(pc) =	sbr.rel @p0 .LBB2_1-.Ltmp3, $4  }
0xba: {  	[hbm:s6], [sflag:s28] =	dma.local [spmem:s29], $0x2800  }
0xbb: {  	_ =	swait.ge [sflag:s17], $0x2800  }
0xbc: {  	[sflag:s17] =	ssyncset.done $0x0  }
0xbd: {  	[sflag:s17] =	ssyncadd.s32 $0xFFFFD800  }
0xbe: {  	_ =	sfence.sel $0x180000  }
0xbf: {  	[bflag:$0x0] =	sbarrier.arrive $0xFFFF  }
0xc0: {  	p0 =	sne.s32 s2, $0x0;
	_ =	strace $0x9000004A  }
0xc1: {  	s0 =	sadd.s32 @!p0 $0x100000, s0;
	[bflag:$0x2] =	sbarrier.arrive $0xFFFF  }
0xc2: {  	[sflag:s0] =	ssyncadd.tile.s32 @!p0 $0x1;
	_ =	shalt  }
.Lfunc_end2:
_tile_overlayer_lowered:
.L_overlay_start_2:
0xc3: {  	(tag) =	ssettag $0x2  }
0xc4: {  	s0 =	rddreg [dreg:$0x0];
	s2 =	stileid.u32  }
0xc5: {  	s1 =	rddreg [dreg:$0x1];
	p0 =	sne.s32 s2, $0x0  }
0xc6: {  	s3 =	rddreg [dreg:$0x2];
	[bflag:$0x3] =	sbarrier.arrive $0xFFFF;
	s2 =	simm.s32 @!p0 $0x1C03  }
0xc7: {  	[timem:s3], [sflag:s2] =	dma.local @!p0 [hbm:s0], s1  }
0xc8: {  	s0 =	simm.s32 @!p0 $0x3  }
0xc9: {  	_ =	swait.ge @!p0 [sflag:s0], s1  }
0xca: {  	s1 =	ssub.s32 @!p0 $0x0, s1;
	[sflag:s0] =	ssyncset.done @!p0 $0x0  }
0xcb: {  	[sflag:s0] =	ssyncadd.s32 @!p0 s1  }
0xcc: {  	[bflag:$0x3] =	sbarrier.arrive $0xFFFF  }
0xcd: {  	_ =	shalt  }

// kernel: kernel.14.cloned.1.call-start
scs
__scs_entry_jumppad:
0x0: {  	(pc) =	sbr.rel $0x88, $3  }
0x1: {  	(tag) =	ssettag $0x0;
	lr =	simm.s32 $0x1  }
0x2: {  	[smem:$0x3F9B] =	sst lr;
	_ =	strace $0xD0000000  }
0x3: {  	_ = 	snop  }
0x4: {  	_ = 	snop  }
0x5: {  	_ = 	snop  }
0x6: {  	_ = 	snop  }
0x7: {  	_ = 	snop  }
__scs_overlays_trampoline_lowered:
0x8: {  	[smem:$0x3FAA] =	sst s0  }
0x9: {  	[smem:$0x3FAB] =	sst s1  }
0xa: {  	[smem:$0x3FAC] =	sst s2  }
0xb: {  	[smem:$0x3FAD] =	sst s3  }
0xc: {  	[smem:$0x3FAE] =	sst s4  }
0xd: {  	[smem:$0x3FAF] =	sst s5  }
0xe: {  	[smem:$0x3FB0] =	sst s6  }
0xf: {  	[smem:$0x3FB1] =	sst s7  }
0x10: {  	[smem:$0x3FB2] =	sst s8  }
0x11: {  	[smem:$0x3FB3] =	sst s9;
	s0 =	simm.s32 @!p0 $0x0  }
0x12: {  	s1 =	sld [smem:$0x3F99];
	s0 =	simm.s32 @p0 $0x1  }
0x13: {  	[smem:$0x3FB4] =	sst s0;
	s0 =	simm.s32 @!p1 $0x0  }
0x14: {  	s2 =	sld [smem:$0x3F98];
	s0 =	simm.s32 @p1 $0x1  }
0x15: {  	[smem:$0x3FB5] =	sst s0;
	s0 =	simm.s32 @!p2 $0x0  }
0x16: {  	s3 =	sld [smem:$0x3FDB];
	s0 =	simm.s32 @p2 $0x1  }
0x17: {  	s4 =	simm.s32 $0x1BF5;
	[smem:$0x3FB7] =	sst s0  }
0x18: {  	s0 =	sld [smem:$0x3F9A];
	_ =	swait.ge [sflag:s4], $0x0  }
0x19: {  	s7 =	sld [smem:$0x3F9B]  }
0x1a: {  	s8 =	sadd.s32 $0xFFFFE003, lr  }
0x1b: {  	s9 =	sadd.s32 $0xFFFFFEF7, lr;
	s5 =	simm.s32 $0xFFFFFFFF;
	p2 =	slt.u32 s8, $0xFFFFF086  }
0x1c: {  	p1 =	slt.u32 s9, $0xF7A;
	s5 =	simm.s32 @!p2 $0x0  }
0x1d: {  	s5 =	simm.s32 @p1 $0x1;
	p0 =	seq.s32 s7, s2  }
0x1e: {  	s7 =	smul.u32 @!p0 $0xF7A, s2;
	p2 =	seq.s32 @!p0 s5, $0x0  }
0x1f: {  	s9 =	smul.u32 $0xF7A, s1;
	s8 =	simm.s32 @!p0 $0x1BF5;
	p2 =	por !p2, p0  }
0x20: {  	[sflag:s8] =	ssyncset.s32 @!p0 $0xFFFFF086;
	s6 =	sadd.s32 @!p0 s3, s7;
	s7 =	simm.s32 @!p0 $0x108  }
0x21: {  	s3 =	sadd.s32 s3, s9;
	s6 =	sadd.s32 @!p0 $0x88, s6;
	s7 =	simm.s32 @p2 $0x1082  }
0x22: {  	[simem:s7], [sflag:s8] =	dma.local @!p0 [hbm:s6], $0xF7A  }
0x23: {  	s9 =	sor.u32 $0xD0000000, s2;
	s6 =	simm.s32 $0x108;
	_ =	swait.ge @!p0 [sflag:s8], $0x0  }
0x24: {  	s3 =	sadd.s32 $0x88, s3;
	s6 =	simm.s32 @!p1 $0x1082;
	[sflag:s4] =	ssyncset.s32 $0xFFFFF086  }
0x25: {  	[simem:s6], [sflag:s4] =	dma.local [hbm:s3], $0xF7A  }
0x26: {  	[smem:$0x3F9B] =	sst s1;
	(tag) =	ssettag s2;
	_ =	strace s9  }
0x27: {  	s1 =	sld [smem:$0x3FAB]  }
0x28: {  	s2 =	sld [smem:$0x3FAC]  }
0x29: {  	s4 =	sld [smem:$0x3FAE]  }
0x2a: {  	p0 =	seq.s32 s5, $0x0;
	s5 =	sld [smem:$0x3FAF]  }
0x2b: {  	s6 =	sld [smem:$0x3FB0]  }
0x2c: {  	s7 =	sld [smem:$0x3FB1]  }
0x2d: {  	s3 =	simm.s32 $0x108;
	s8 =	sld [smem:$0x3FB2]  }
0x2e: {  	s3 =	simm.s32 @!p0 $0x1082;
	s9 =	sld [smem:$0x3FB3]  }
0x2f: {  	lr =	sadd.s32 s0, s3;
	s0 =	sld [smem:$0x3FAA]  }
0x30: {  	s3 =	sld [smem:$0x3FAD]  }
0x31: {  	[smem:$0x3FB6] =	sst s10  }
0x32: {  	s10 =	sld [smem:$0x3FB4];
	_ =	sdelay $0x3  }
0x33: {  	p0 =	seq.s32 s10, $0x1;
	s10 =	sld [smem:$0x3FB6];
	_ =	sdelay $0x3  }
0x34: {  	[smem:$0x3FB6] =	sst s10  }
0x35: {  	s10 =	sld [smem:$0x3FB5];
	_ =	sdelay $0x3  }
0x36: {  	p1 =	seq.s32 s10, $0x1;
	s10 =	sld [smem:$0x3FB6];
	_ =	sdelay $0x3  }
0x37: {  	[smem:$0x3FB6] =	sst s10  }
0x38: {  	s10 =	sld [smem:$0x3FB7]  }
0x39: {  	_ = 	snop;
	(pc) =	sbr.ind lr, $3  }
0x3a: {  	_ = 	snop  }
0x3b: {  	_ = 	snop  }
0x3c: {  	p2 =	seq.s32 s10, $0x1;
	s10 =	sld [smem:$0x3FB6]  }
0x3d: {  	_ =	shalt  }
0x3e: {  	_ =	shalt  }
0x3f: {  	_ =	shalt  }
0x40: {  	_ =	shalt  }
0x41: {  	_ =	shalt  }
0x42: {  	_ =	shalt  }
0x43: {  	_ =	shalt  }
0x44: {  	_ =	shalt  }
0x45: {  	_ =	shalt  }
0x46: {  	_ =	shalt  }
0x47: {  	_ =	shalt  }
0x48: {  	_ =	shalt  }
0x49: {  	_ =	shalt  }
0x4a: {  	_ =	shalt  }
0x4b: {  	_ =	shalt  }
0x4c: {  	_ =	shalt  }
0x4d: {  	_ =	shalt  }
0x4e: {  	_ =	shalt  }
0x4f: {  	_ =	shalt  }
0x50: {  	_ =	shalt  }
0x51: {  	_ =	shalt  }
0x52: {  	_ =	shalt  }
0x53: {  	_ =	shalt  }
0x54: {  	_ =	shalt  }
0x55: {  	_ =	shalt  }
0x56: {  	_ =	shalt  }
0x57: {  	_ =	shalt  }
0x58: {  	_ =	shalt  }
0x59: {  	_ =	shalt  }
0x5a: {  	_ =	shalt  }
0x5b: {  	_ =	shalt  }
0x5c: {  	_ =	shalt  }
0x5d: {  	_ =	shalt  }
0x5e: {  	_ =	shalt  }
0x5f: {  	_ =	shalt  }
0x60: {  	_ =	shalt  }
0x61: {  	_ =	shalt  }
0x62: {  	_ =	shalt  }
0x63: {  	_ =	shalt  }
0x64: {  	_ =	shalt  }
0x65: {  	_ =	shalt  }
0x66: {  	_ =	shalt  }
0x67: {  	_ =	shalt  }
0x68: {  	_ =	shalt  }
0x69: {  	_ =	shalt  }
0x6a: {  	_ =	shalt  }
0x6b: {  	_ =	shalt  }
0x6c: {  	_ =	shalt  }
0x6d: {  	_ =	shalt  }
0x6e: {  	_ =	shalt  }
0x6f: {  	_ =	shalt  }
0x70: {  	_ =	shalt  }
0x71: {  	_ =	shalt  }
0x72: {  	_ =	shalt  }
0x73: {  	_ =	shalt  }
0x74: {  	_ =	shalt  }
0x75: {  	_ =	shalt  }
0x76: {  	_ =	shalt  }
0x77: {  	_ =	shalt  }
0x78: {  	_ =	shalt  }
0x79: {  	_ =	shalt  }
0x7a: {  	_ =	shalt  }
0x7b: {  	_ =	shalt  }
0x7c: {  	_ =	shalt  }
0x7d: {  	_ =	shalt  }
0x7e: {  	_ =	shalt  }
0x7f: {  	_ =	shalt  }
0x80: {  	_ =	shalt  }
0x81: {  	_ =	shalt  }
0x82: {  	_ =	shalt  }
0x83: {  	_ =	shalt  }
0x84: {  	_ =	shalt  }
0x85: {  	_ =	shalt  }
0x86: {  	_ =	shalt  }
0x87: {  	_ =	shalt  }
.Lfunc_end0:
.L_simem_size_0:
called_computation.2_lowered:
.L_overlay_start_0:
0x88: {  	s2 =	sld [smem:$0x3FD9]  }
0x89: {  	s3 =	sld [smem:$0x3FFE];
	_ =	sdelay $0x1  }
0x8a: {  	s1 =	srdreg.scid  }
0x8b: {  	s0 =	sand.u32 $0x1, s1  }
0x8c: {  	s17 =	sshll.u32 s0, $0xA;
	s2 =	sadd.s32 s3, s2  }
0x8d: {  	s2 =	sadd.s32 s2, s17  }
0x8e: {  	[smem:$0x3FC2] =	sst s2  }
0x8f: {  	_ = 	snop  }
0x90: {  	s2 =	sld [smem:$0x3FD0];
	(tm) =	ssettm $0x1  }
0x91: {  	s18 =	sld [smem:$0x3FFB];
	_ =	sdelay $0x3  }
0x92: {  	_ =	strace s18  }
0x93: {  	s3 =	sld [smem:$0x3FFC];
	_ =	sdelay $0x3  }
0x94: {  	_ =	strace s3  }
0x95: {  	s3 =	sld [smem:$0x3FFD];
	_ =	sdelay $0x3  }
0x96: {  	_ =	strace s3  }
0x97: {  	_ =	strace $0x8FFFFFFF  }
0x98: {  	s19 =	sld [smem:$0x3FDB];
	_ =	sdelay $0x1  }
0x99: {  	s4 =	simm.s32 $_scs_section_size  }
0x9a: {  	s5 =	simm.s32 $_size__tile_overlayer_lowered;
	s6 =	simm.s32 $_tile_overlayer_lowered  }
0x9b: {  	s22 =	simm.s32 $0x1BFF;
	s21 =	sshll.u32 s6, $0x1;
	s3 =	sadd.s32 s4, s19  }
0x9c: {  	s7 =	simm.s32 $0x0;
	s20 =	sshll.u32 s5, $0x1;
	s5 =	sadd.s32 s21, s3  }
0x9d: {  	[timem:s7], [sflag:s22] =	dma.local [hbm:s5], s20  }
0x9e: {  	_ =	swait.ge [sflag:s22], s20  }
0x9f: {  	s4 =	ssub.s32 $0x0, s20;
	[sflag:s22] =	ssyncset.done $0x0  }
0xa0: {  	[sflag:s22] =	ssyncadd.s32 s4;
	_ =	sdelay $0x1  }
0xa1: {  	s23 =	simm.s32 $0x1B8B  }
0xa2: {  	_ =	swait.ge [sflag:s23], $0x1  }
0xa3: {  	[sflag:s23] =	ssyncset.done $0x0  }
0xa4: {  	s25 =	simm.s32 $0x1B8E;
	s24 =	sld [smem:$0x3FFE];
	[sflag:s23] =	ssyncadd.s32 $0xFFFFFFFF  }
0xa5: {  	s26 =	simm.s32 $execute0_lowered;
	[smem:$0x3FD2] =	sst s25  }
0xa6: {  	s5 =	sshll.u32 s26, $0x1;
	_ =	strace $0x8000004C;
	[dreg:$0x1] =	wrdreg $0xFFFFFFFF  }
0xa7: {  	s28 =	simm.s32 $_size_execute0_lowered;
	s3 =	sadd.s32 s3, s5;
	[dreg:$0x0] =	wrdreg $0x0  }
0xa8: {  	s5 =	sshll.u32 s28, $0x1;
	[dreg:$0x2] =	wrdreg s3  }
0xa9: {  	[dreg:$0x3] =	wrdreg s5  }
0xaa: {  	[dreg:$0x4] =	wrdreg $0xC0  }
0xab: {  	_ =	task [dreg:s7], $0x5FFFF  }
0xac: {  	[dreg:$0x1] =	wrdreg $0xFFFFFFFF  }
0xad: {  	[dreg:$0x0] =	wrdreg $0x60  }
0xae: {  	[dreg:$0x2] =	wrdreg s24  }
0xaf: {  	[dreg:$0x3] =	wrdreg s2  }
0xb0: {  	[dreg:$0x4] =	wrdreg $0x0  }
0xb1: {  	[dreg:$0x5] =	wrdreg $0x9  }
0xb2: {  	_ =	task.clear_ibuf [dreg:s7], $0x6FFFF;
	_ =	strace $0x9000004C  }
0xb3: {  	s29 =	simm.s32 $0x9;
	_ =	strace $0x8000004E  }
0xb4: {  	_ =	swait.ge [sflag:s29], $0x1  }
0xb5: {  	[sflag:s29] =	ssyncadd.s32 $0xFFFFFFFF  }
0xb6: {  	_ =	strace $0x9000004E  }
0xb7: {  	_ =	sfence  }
0xb8: {  	s30 =	sld [smem:$0x0];
	_ =	sdelay $0x2  }
0xb9: {  	s31 =	sshll.u32 s1, $0xD;
	s1 =	sshrl.u32 s1, $0x2  }
0xba: {  	s3 =	sand.u32 $0x4000, s31;
	s1 =	sadd.s32 s1, s30  }
0xbb: {  	s0 =	sor.u32 s3, s0;
	s1 =	sshll.u32 s1, $0x11  }
0xbc: {  	s0 =	sor.u32 s1, s0  }
0xbd: {  	s0 =	sadd.s32 $0x8F2B, s0  }
0xbe: {  	[sflag:s0] =	ssyncadd.remote.s32 $0x1  }
0xbf: {  	_ =	sfence.sel $0xFFFF  }
0xc0: {  	[dreg:$0x0] =	wrdreg $0xFFFFFFFF;
	(pc) =	sbr.abs _section_cstart, $3  }
0xc1: {  	[dreg:$0x1] =	wrdreg $0xFFFFFFFF  }
0xc2: {  	_ =	task.clear_ibuf [dreg:s7], $0x2FFFF;
	_ =	strace $0x9FFFFFFF  }
0xc3: {  	(tm) =	ssettm $0x7FFFFFFF  }
tec
execute0_lowered:
.L_overlay_start_1:
0x0: {  	(tag) =	ssettag $0x1  }
0x1: {  	s5 =	rddreg [dreg:$0x0]  }
0x2: {  	s14 =	rddreg [dreg:$0x1]  }
0x3: {  	s1 =	rddreg [dreg:$0x2]  }
0x4: {  	s2 =	srdreg.scid;
	s0 =	rddreg [dreg:$0x3]  }
0x5: {  	s3 =	simm.s32 $0x0;
	s17 =	simm.s32 $0x3;
	s18 =	simm.s32 $0x1C000  }
0x6: {  	s19 =	simm.s32 $0x1D400;
	s20 =	simm.s32 $0x80;
	s21 =	simm.s32 $0x1  }
0x7: {  	s22 =	simm.s32 $0x18000;
	s23 =	simm.s32 $0x2;
	s24 =	simm.s32 $0x1D380  }
0x8: {  	s25 =	simm.s32 $0x1E700;
	s6 =	sand.u32 $0x1, s2;
	s2 =	stileid.u32  }
0x9: {  	s26 =	simm.s32 $0x1E780;
	[smem:$0x7FF] =	sst s3;
	s7 =	smul.u32 $0x28000, s6  }
0xa: {  	s4 =	sadd.s32 $0x5D000, s5;
	s15 =	sadd.s32 $0x2C00, s5;
	s8 =	smul.u32 $0x2800, s2  }
0xb: {  	s29 =	ssub.s32 $0x2, s6;
	s9 =	smul.u32 $0x50000, s2;
	s6 =	sshll.u32 s6, $0x4  }
0xc: {  	_ =	strace $0x8000004D;
	s30 =	sshrl.u32 s29, $0x1;
	s10 =	sor.u32 s2, s6  }
0xd: {  	s7 =	sadd.s32 s8, s7;
	s8 =	ssub.s32 s29, s30;
	s31 =	sshrl.u32 s9, $0x2  }
0xe: {  	s13 =	smul.u32 $0x500, s10;
	s7 =	sadd.s32 s7, s5;
	s5 =	sadd.s32 s31, s1  }
0xf: {  	s6 =	sadd.s32 $0x85000, s7;
	s7 =	smax.u32 s8, $0x1;
	s8 =	sadd.s32 $0x4000, s5  }
0x10: {  	s9 =	sadd.s32 $0x8000, s5;
	s10 =	sadd.s32 $0xC000, s5;
	s11 =	sadd.s32 $0x10000, s5  }
0x11: {  	s16 =	sadd.s32 $0x280, s13;
	s12 =	sadd.s32 s14, s13;
	s13 =	sadd.s32 s15, s13  }
0x12: {  	v0 =	vimm.f32 $0.0e+00;
	s14 =	sadd.s32 s14, s16;
	s15 =	sadd.s32 s15, s16;
	s16 =	simm.s32 $0x14000  }
.LBB2_1:
0x13: {  	s28 =	simm.s32 $0x0;
	s29 =	simm.s32 $0x200  }
.LBB2_2:
0x14: {  	p0 =	sne.s32 s29, $0xFE00;
	[tilespmem:s28+$0x14070] =	vst v0  }
0x15: {  	[tilespmem:s28+$0x14000] =	vst v0  }
0x16: {  	[tilespmem:s28+$0x14010] =	vst v0  }
.Ltmp0:
0x17: {  	[tilespmem:s28+$0x14020] =	vst v0;
	(pc) =	sbr.rel @p0 .LBB2_2-.Ltmp0, $4  }
0x18: {  	[tilespmem:s28+$0x14030] =	vst v0  }
0x19: {  	[tilespmem:s28+$0x14040] =	vst v0  }
0x1a: {  	[tilespmem:s28+$0x14050] =	vst v0  }
0x1b: {  	[tilespmem:s28+$0x14060] =	vst v0;
	s28 =	sshra.s32 s29, $0x2;
	s29 =	sadd.s32 $0x200, s29  }
0x1c: {  	[tilespmem:s28+$0x14070] =	vst v0  }
0x1d: {  	[tilespmem:s28+$0x14000] =	vst v0  }
0x1e: {  	[tilespmem:s28+$0x14010] =	vst v0  }
0x1f: {  	[tilespmem:s28+$0x14020] =	vst v0  }
0x20: {  	[tilespmem:s28+$0x14030] =	vst v0  }
0x21: {  	[tilespmem:s28+$0x14040] =	vst v0  }
0x22: {  	[tilespmem:s28+$0x14050] =	vst v0  }
0x23: {  	[tilespmem:s28+$0x14060] =	vst v0  }
0x24: {  	[spmem:s5] =	stream.linear.scatter [tilespmem:s16], [sflag:$0x3], $0x4000, $0x38;
	[tilespmem:$0x1E800] =	vst v63  }
0x25: {  	_ =	swait.ge [sflag:s17], $0x4000  }
0x26: {  	[sflag:s17] =	ssyncset.done $0x0  }
0x27: {  	[sflag:s17] =	ssyncadd.s32 $0xFFFFC000  }
0x28: {  	[spmem:s8] =	stream.linear.scatter [tilespmem:s16], [sflag:$0x3], $0x4000, $0x38;
	[tilespmem:$0x1E800] =	vst v63  }
0x29: {  	_ =	swait.ge [sflag:s17], $0x4000  }
0x2a: {  	[sflag:s17] =	ssyncset.done $0x0  }
0x2b: {  	[sflag:s17] =	ssyncadd.s32 $0xFFFFC000  }
0x2c: {  	[spmem:s9] =	stream.linear.scatter [tilespmem:s16], [sflag:$0x3], $0x4000, $0x38;
	[tilespmem:$0x1E800] =	vst v63  }
0x2d: {  	_ =	swait.ge [sflag:s17], $0x4000  }
0x2e: {  	[sflag:s17] =	ssyncset.done $0x0  }
0x2f: {  	[sflag:s17] =	ssyncadd.s32 $0xFFFFC000  }
0x30: {  	[spmem:s10] =	stream.linear.scatter [tilespmem:s16], [sflag:$0x3], $0x4000, $0x38;
	[tilespmem:$0x1E800] =	vst v63  }
0x31: {  	_ =	swait.ge [sflag:s17], $0x4000  }
0x32: {  	[sflag:s17] =	ssyncset.done $0x0  }
0x33: {  	[sflag:s17] =	ssyncadd.s32 $0xFFFFC000  }
0x34: {  	[spmem:s11] =	stream.linear.scatter [tilespmem:s16], [sflag:$0x3], $0x4000, $0x38;
	[tilespmem:$0x1E800] =	vst v63  }
0x35: {  	_ =	swait.ge [sflag:s17], $0x4000  }
0x36: {  	[sflag:s17] =	ssyncset.done $0x0  }
0x37: {  	[sflag:s17] =	ssyncadd.s32 $0xFFFFC000  }
0x38: {  	s28 =	simm.s32 $0x0;
	[bflag:$0x0] =	sbarrier.arrive $0xFFFF  }
0x39: {  	[tilespmem:s18], [sflag:$0x3] =	stream.linear.gather [hbm4b:s12+s28], $0x1400, $0x38;
	[tilespmem:$0x1E800] =	vst v63  }
0x3a: {  	_ =	swait.ge [sflag:s17], $0x1400  }
0x3b: {  	[sflag:s17] =	ssyncset.done $0x0  }
0x3c: {  	[sflag:s17] =	ssyncadd.s32 $0xFFFFEC00  }
0x3d: {  	[tilespmem:s19], [sflag:$0x3] =	stream.linear.gather [hbm4b:s13+s28], $0x1400, $0x38;
	[tilespmem:$0x1E800] =	vst v63  }
0x3e: {  	_ =	swait.ge [sflag:s17], $0x1400  }
0x3f: {  	[sflag:s17] =	ssyncset.done $0x0  }
0x40: {  	[sflag:s17] =	ssyncadd.s32 $0xFFFFEC00  }
0x41: {  	[tilespmem:s16], [sflag:$0x1] =	stream.indirect.gather [hbm4b:s4+s20], $0x80, s18, s20, $0xb8;
	[tilespmem:$0x1E800] =	vst v63  }
0x42: {  	_ =	swait.ge [sflag:s21], $0x4000  }
0x43: {  	[sflag:s21] =	ssyncset.done $0x0  }
0x44: {  	s28 =	simm.s32 $0x1C080;
	[sflag:s21] =	ssyncadd.s32 $0xFFFFC000  }
0x45: {  	[tilespmem:s22], [sflag:$0x2] =	stream.indirect.gather [hbm4b:s4+s20], $0x80, s28, s20, $0xb8;
	[tilespmem:$0x1E800] =	vst v63  }
0x46: {  	s28 =	simm.s32 $0x1D400  }
0x47: {  	[spmem:s1] =	stream.indirect.scatter.add.f32 [tilespmem:s16], [sflag:$0x3], $0x80, s28, s20, $0xb8;
	[tilespmem:$0x1E800] =	vst v63  }
0x48: {  	_ =	swait.ge [sflag:s17], $0x4000  }
0x49: {  	[sflag:s17] =	ssyncset.done $0x0  }
0x4a: {  	[sflag:s17] =	ssyncadd.s32 $0xFFFFC000  }
0x4b: {  	_ =	swait.ge [sflag:s23], $0x4000  }
0x4c: {  	[sflag:s23] =	ssyncset.done $0x0  }
0x4d: {  	s28 =	simm.s32 $0x1C100;
	[sflag:s23] =	ssyncadd.s32 $0xFFFFC000  }
0x4e: {  	[tilespmem:s16], [sflag:$0x1] =	stream.indirect.gather [hbm4b:s4+s20], $0x80, s28, s20, $0xb8;
	[tilespmem:$0x1E800] =	vst v63  }
0x4f: {  	s28 =	simm.s32 $0x1D480  }
0x50: {  	[spmem:s1] =	stream.indirect.scatter.add.f32 [tilespmem:s22], [sflag:$0x3], $0x80, s28, s20, $0xb8;
	[tilespmem:$0x1E800] =	vst v63  }
0x51: {  	_ =	swait.ge [sflag:s17], $0x4000  }
0x52: {  	s28 =	simm.s32 $0x400;
	[sflag:s17] =	ssyncset.done $0x0  }
.LBB2_4:
0x53: {  	p0 =	sne.s32 s28, $0x4800  }
0x54: {  	[sflag:s17] =	ssyncadd.s32 $0xFFFFC000;
	s29 =	smov.u32 s28;
	s28 =	sadd.s32 $0x400, s28  }
0x55: {  	_ = 	snop  }
0x56: {  	_ =	swait.ge [sflag:s21], $0x4000  }
0x57: {  	s29 =	sshra.s32 s29, $0x2;
	[sflag:s21] =	ssyncset.done $0x0  }
0x58: {  	s30 =	sadd.s32 $0x1C080, s29;
	[sflag:s21] =	ssyncadd.s32 $0xFFFFC000  }
0x59: {  	[tilespmem:s22], [sflag:$0x2] =	stream.indirect.gather [hbm4b:s4+s20], $0x80, s30, s20, $0xb8;
	[tilespmem:$0x1E800] =	vst v63  }
0x5a: {  	s30 =	sadd.s32 $0x1D400, s29  }
0x5b: {  	[spmem:s1] =	stream.indirect.scatter.add.f32 [tilespmem:s16], [sflag:$0x3], $0x80, s30, s20, $0xb8;
	[tilespmem:$0x1E800] =	vst v63  }
0x5c: {  	_ =	swait.ge [sflag:s17], $0x4000  }
0x5d: {  	[sflag:s17] =	ssyncset.done $0x0  }
0x5e: {  	[sflag:s17] =	ssyncadd.s32 $0xFFFFC000  }
0x5f: {  	_ =	swait.ge [sflag:s23], $0x4000  }
0x60: {  	[sflag:s23] =	ssyncset.done $0x0  }
0x61: {  	s30 =	sadd.s32 $0x1C100, s29;
	[sflag:s23] =	ssyncadd.s32 $0xFFFFC000  }
0x62: {  	[tilespmem:s16], [sflag:$0x1] =	stream.indirect.gather [hbm4b:s4+s20], $0x80, s30, s20, $0xb8;
	[tilespmem:$0x1E800] =	vst v63  }
.Ltmp1:
0x63: {  	_ = 	snop;
	(pc) =	sbr.rel @p0 .LBB2_4-.Ltmp1, $4  }
0x64: {  	s29 =	sadd.s32 $0x1D480, s29  }
0x65: {  	[spmem:s1] =	stream.indirect.scatter.add.f32 [tilespmem:s22], [sflag:$0x3], $0x80, s29, s20, $0xb8;
	[tilespmem:$0x1E800] =	vst v63  }
0x66: {  	_ =	swait.ge [sflag:s17], $0x4000  }
0x67: {  	[sflag:s17] =	ssyncset.done $0x0  }
0x68: {  	[sflag:s17] =	ssyncadd.s32 $0xFFFFC000  }
0x69: {  	_ =	swait.ge [sflag:s21], $0x4000  }
0x6a: {  	[sflag:s21] =	ssyncset.done $0x0  }
0x6b: {  	[sflag:s21] =	ssyncadd.s32 $0xFFFFC000  }
0x6c: {  	[tilespmem:s22], [sflag:$0x2] =	stream.indirect.gather [hbm4b:s4+s20], $0x80, s24, s20, $0xb8;
	[tilespmem:$0x1E800] =	vst v63  }
0x6d: {  	_ = 	snop  }
0x6e: {  	[spmem:s1] =	stream.indirect.scatter.add.f32 [tilespmem:s16], [sflag:$0x3], $0x80, s25, s20, $0xb8;
	[tilespmem:$0x1E800] =	vst v63  }
0x6f: {  	_ =	swait.ge [sflag:s17], $0x4000  }
0x70: {  	[sflag:s17] =	ssyncset.done $0x0  }
0x71: {  	[sflag:s17] =	ssyncadd.s32 $0xFFFFC000  }
0x72: {  	_ =	swait.ge [sflag:s23], $0x4000  }
0x73: {  	[sflag:s23] =	ssyncset.done $0x0  }
0x74: {  	[sflag:s23] =	ssyncadd.s32 $0xFFFFC000  }
0x75: {  	[spmem:s1] =	stream.indirect.scatter.add.f32 [tilespmem:s22], [sflag:$0x3], $0x80, s26, s20, $0xb8;
	[tilespmem:$0x1E800] =	vst v63  }
0x76: {  	_ =	swait.ge [sflag:s17], $0x4000  }
0x77: {  	[sflag:s17] =	ssyncset.done $0x0  }
0x78: {  	s28 =	simm.s32 $0x0;
	[sflag:s17] =	ssyncadd.s32 $0xFFFFC000  }
0x79: {  	[tilespmem:s18], [sflag:$0x3] =	stream.linear.gather [hbm4b:s14+s28], $0x1400, $0x38;
	[tilespmem:$0x1E800] =	vst v63  }
0x7a: {  	_ =	swait.ge [sflag:s17], $0x1400  }
0x7b: {  	[sflag:s17] =	ssyncset.done $0x0  }
0x7c: {  	[sflag:s17] =	ssyncadd.s32 $0xFFFFEC00  }
0x7d: {  	[tilespmem:s19], [sflag:$0x3] =	stream.linear.gather [hbm4b:s15+s28], $0x1400, $0x38;
	[tilespmem:$0x1E800] =	vst v63  }
0x7e: {  	_ =	swait.ge [sflag:s17], $0x1400  }
0x7f: {  	[sflag:s17] =	ssyncset.done $0x0  }
0x80: {  	[sflag:s17] =	ssyncadd.s32 $0xFFFFEC00  }
0x81: {  	[tilespmem:s16], [sflag:$0x1] =	stream.indirect.gather [hbm4b:s4+s20], $0x80, s18, s20, $0xb8;
	[tilespmem:$0x1E800] =	vst v63  }
0x82: {  	_ =	swait.ge [sflag:s21], $0x4000  }
0x83: {  	[sflag:s21] =	ssyncset.done $0x0  }
0x84: {  	s28 =	simm.s32 $0x1C080;
	[sflag:s21] =	ssyncadd.s32 $0xFFFFC000  }
0x85: {  	[tilespmem:s22], [sflag:$0x2] =	stream.indirect.gather [hbm4b:s4+s20], $0x80, s28, s20, $0xb8;
	[tilespmem:$0x1E800] =	vst v63  }
0x86: {  	s28 =	simm.s32 $0x1D400  }
0x87: {  	[spmem:s1] =	stream.indirect.scatter.add.f32 [tilespmem:s16], [sflag:$0x3], $0x80, s28, s20, $0xb8;
	[tilespmem:$0x1E800] =	vst v63  }
0x88: {  	_ =	swait.ge [sflag:s17], $0x4000  }
0x89: {  	[sflag:s17] =	ssyncset.done $0x0  }
0x8a: {  	[sflag:s17] =	ssyncadd.s32 $0xFFFFC000  }
0x8b: {  	_ =	swait.ge [sflag:s23], $0x4000  }
0x8c: {  	[sflag:s23] =	ssyncset.done $0x0  }
0x8d: {  	s28 =	simm.s32 $0x1C100;
	[sflag:s23] =	ssyncadd.s32 $0xFFFFC000  }
0x8e: {  	[tilespmem:s16], [sflag:$0x1] =	stream.indirect.gather [hbm4b:s4+s20], $0x80, s28, s20, $0xb8;
	[tilespmem:$0x1E800] =	vst v63  }
0x8f: {  	s28 =	simm.s32 $0x1D480  }
0x90: {  	[spmem:s1] =	stream.indirect.scatter.add.f32 [tilespmem:s22], [sflag:$0x3], $0x80, s28, s20, $0xb8;
	[tilespmem:$0x1E800] =	vst v63  }
0x91: {  	_ =	swait.ge [sflag:s17], $0x4000  }
0x92: {  	s28 =	simm.s32 $0x400;
	[sflag:s17] =	ssyncset.done $0x0  }
.LBB2_6:
0x93: {  	p0 =	sne.s32 s28, $0x4800  }
0x94: {  	[sflag:s17] =	ssyncadd.s32 $0xFFFFC000;
	s29 =	smov.u32 s28;
	s28 =	sadd.s32 $0x400, s28  }
0x95: {  	_ = 	snop  }
0x96: {  	_ =	swait.ge [sflag:s21], $0x4000  }
0x97: {  	s29 =	sshra.s32 s29, $0x2;
	[sflag:s21] =	ssyncset.done $0x0  }
0x98: {  	s30 =	sadd.s32 $0x1C080, s29;
	[sflag:s21] =	ssyncadd.s32 $0xFFFFC000  }
0x99: {  	[tilespmem:s22], [sflag:$0x2] =	stream.indirect.gather [hbm4b:s4+s20], $0x80, s30, s20, $0xb8;
	[tilespmem:$0x1E800] =	vst v63  }
0x9a: {  	s30 =	sadd.s32 $0x1D400, s29  }
0x9b: {  	[spmem:s1] =	stream.indirect.scatter.add.f32 [tilespmem:s16], [sflag:$0x3], $0x80, s30, s20, $0xb8;
	[tilespmem:$0x1E800] =	vst v63  }
0x9c: {  	_ =	swait.ge [sflag:s17], $0x4000  }
0x9d: {  	[sflag:s17] =	ssyncset.done $0x0  }
0x9e: {  	[sflag:s17] =	ssyncadd.s32 $0xFFFFC000  }
0x9f: {  	_ =	swait.ge [sflag:s23], $0x4000  }
0xa0: {  	[sflag:s23] =	ssyncset.done $0x0  }
0xa1: {  	s30 =	sadd.s32 $0x1C100, s29;
	[sflag:s23] =	ssyncadd.s32 $0xFFFFC000  }
0xa2: {  	[tilespmem:s16], [sflag:$0x1] =	stream.indirect.gather [hbm4b:s4+s20], $0x80, s30, s20, $0xb8;
	[tilespmem:$0x1E800] =	vst v63  }
.Ltmp2:
0xa3: {  	_ = 	snop;
	(pc) =	sbr.rel @p0 .LBB2_6-.Ltmp2, $4  }
0xa4: {  	s29 =	sadd.s32 $0x1D480, s29  }
0xa5: {  	[spmem:s1] =	stream.indirect.scatter.add.f32 [tilespmem:s22], [sflag:$0x3], $0x80, s29, s20, $0xb8;
	[tilespmem:$0x1E800] =	vst v63  }
0xa6: {  	_ =	swait.ge [sflag:s17], $0x4000  }
0xa7: {  	[sflag:s17] =	ssyncset.done $0x0  }
0xa8: {  	[sflag:s17] =	ssyncadd.s32 $0xFFFFC000  }
0xa9: {  	_ =	swait.ge [sflag:s21], $0x4000  }
0xaa: {  	[sflag:s21] =	ssyncset.done $0x0  }
0xab: {  	[sflag:s21] =	ssyncadd.s32 $0xFFFFC000  }
0xac: {  	[tilespmem:s22], [sflag:$0x2] =	stream.indirect.gather [hbm4b:s4+s20], $0x80, s24, s20, $0xb8;
	[tilespmem:$0x1E800] =	vst v63  }
0xad: {  	_ = 	snop  }
0xae: {  	[spmem:s1] =	stream.indirect.scatter.add.f32 [tilespmem:s16], [sflag:$0x3], $0x80, s25, s20, $0xb8;
	[tilespmem:$0x1E800] =	vst v63  }
0xaf: {  	_ =	swait.ge [sflag:s17], $0x4000  }
0xb0: {  	[sflag:s17] =	ssyncset.done $0x0  }
0xb1: {  	[sflag:s17] =	ssyncadd.s32 $0xFFFFC000  }
0xb2: {  	_ =	swait.ge [sflag:s23], $0x4000  }
0xb3: {  	[sflag:s23] =	ssyncset.done $0x0  }
0xb4: {  	[sflag:s23] =	ssyncadd.s32 $0xFFFFC000  }
0xb5: {  	[spmem:s1] =	stream.indirect.scatter.add.f32 [tilespmem:s22], [sflag:$0x3], $0x80, s26, s20, $0xb8;
	[tilespmem:$0x1E800] =	vst v63  }
0xb6: {  	_ =	swait.ge [sflag:s17], $0x4000  }
0xb7: {  	s28 =	sshll.u32 s2, $0x6;
	s3 =	sadd.s32 $0x1, s3;
	[sflag:s17] =	ssyncset.done $0x0  }
0xb8: {  	s29 =	sshrl.u32 s5, $0x3;
	p0 =	sne.s32 s3, s7;
	[sflag:s17] =	ssyncadd.s32 $0xFFFFC000  }
.Ltmp3:
0xb9: {  	s28 =	sor.u32 $0x1C03, s28;
	[bflag:$0x0] =	sbarrier.arrive $0xFFFF;
	(pc) =	sbr.rel @p0 .LBB2_1-.Ltmp3, $4  }
0xba: {  	[hbm:s6], [sflag:s28] =	dma.local [spmem:s29], $0x2800  }
0xbb: {  	_ =	swait.ge [sflag:s17], $0x2800  }
0xbc: {  	[sflag:s17] =	ssyncset.done $0x0  }
0xbd: {  	[sflag:s17] =	ssyncadd.s32 $0xFFFFD800  }
0xbe: {  	_ =	sfence.sel $0x180000  }
0xbf: {  	[bflag:$0x0] =	sbarrier.arrive $0xFFFF  }
0xc0: {  	p0 =	sne.s32 s2, $0x0;
	_ =	strace $0x9000004D  }
0xc1: {  	s0 =	sadd.s32 @!p0 $0x100000, s0;
	[bflag:$0x2] =	sbarrier.arrive $0xFFFF  }
0xc2: {  	[sflag:s0] =	ssyncadd.tile.s32 @!p0 $0x1;
	_ =	shalt  }
.Lfunc_end2:
_tile_overlayer_lowered:
.L_overlay_start_2:
0xc3: {  	(tag) =	ssettag $0x2  }
0xc4: {  	s0 =	rddreg [dreg:$0x0];
	s2 =	stileid.u32  }
0xc5: {  	s1 =	rddreg [dreg:$0x1];
	p0 =	sne.s32 s2, $0x0  }
0xc6: {  	s3 =	rddreg [dreg:$0x2];
	[bflag:$0x3] =	sbarrier.arrive $0xFFFF;
	s2 =	simm.s32 @!p0 $0x1C03  }
0xc7: {  	[timem:s3], [sflag:s2] =	dma.local @!p0 [hbm:s0], s1  }
0xc8: {  	s0 =	simm.s32 @!p0 $0x3  }
0xc9: {  	_ =	swait.ge @!p0 [sflag:s0], s1  }
0xca: {  	s1 =	ssub.s32 @!p0 $0x0, s1;
	[sflag:s0] =	ssyncset.done @!p0 $0x0  }
0xcb: {  	[sflag:s0] =	ssyncadd.s32 @!p0 s1  }
0xcc: {  	[bflag:$0x3] =	sbarrier.arrive $0xFFFF  }
0xcd: {  	_ =	shalt  }

// kernel: kernel.8.cloned.1.call-start
scs
__scs_entry_jumppad:
0x0: {  	(pc) =	sbr.rel $0x88, $3  }
0x1: {  	(tag) =	ssettag $0x0;
	lr =	simm.s32 $0x1  }
0x2: {  	[smem:$0x3F9B] =	sst lr;
	_ =	strace $0xD0000000  }
0x3: {  	_ = 	snop  }
0x4: {  	_ = 	snop  }
0x5: {  	_ = 	snop  }
0x6: {  	_ = 	snop  }
0x7: {  	_ = 	snop  }
__scs_overlays_trampoline_lowered:
0x8: {  	[smem:$0x3FAA] =	sst s0  }
0x9: {  	[smem:$0x3FAB] =	sst s1  }
0xa: {  	[smem:$0x3FAC] =	sst s2  }
0xb: {  	[smem:$0x3FAD] =	sst s3  }
0xc: {  	[smem:$0x3FAE] =	sst s4  }
0xd: {  	[smem:$0x3FAF] =	sst s5  }
0xe: {  	[smem:$0x3FB0] =	sst s6  }
0xf: {  	[smem:$0x3FB1] =	sst s7  }
0x10: {  	[smem:$0x3FB2] =	sst s8  }
0x11: {  	[smem:$0x3FB3] =	sst s9;
	s0 =	simm.s32 @!p0 $0x0  }
0x12: {  	s1 =	sld [smem:$0x3F99];
	s0 =	simm.s32 @p0 $0x1  }
0x13: {  	[smem:$0x3FB4] =	sst s0;
	s0 =	simm.s32 @!p1 $0x0  }
0x14: {  	s2 =	sld [smem:$0x3F98];
	s0 =	simm.s32 @p1 $0x1  }
0x15: {  	[smem:$0x3FB5] =	sst s0;
	s0 =	simm.s32 @!p2 $0x0  }
0x16: {  	s3 =	sld [smem:$0x3FDB];
	s0 =	simm.s32 @p2 $0x1  }
0x17: {  	s4 =	simm.s32 $0x1BF5;
	[smem:$0x3FB7] =	sst s0  }
0x18: {  	s0 =	sld [smem:$0x3F9A];
	_ =	swait.ge [sflag:s4], $0x0  }
0x19: {  	s7 =	sld [smem:$0x3F9B]  }
0x1a: {  	s8 =	sadd.s32 $0xFFFFE003, lr  }
0x1b: {  	s9 =	sadd.s32 $0xFFFFFEF7, lr;
	s5 =	simm.s32 $0xFFFFFFFF;
	p2 =	slt.u32 s8, $0xFFFFF086  }
0x1c: {  	p1 =	slt.u32 s9, $0xF7A;
	s5 =	simm.s32 @!p2 $0x0  }
0x1d: {  	s5 =	simm.s32 @p1 $0x1;
	p0 =	seq.s32 s7, s2  }
0x1e: {  	s7 =	smul.u32 @!p0 $0xF7A, s2;
	p2 =	seq.s32 @!p0 s5, $0x0  }
0x1f: {  	s9 =	smul.u32 $0xF7A, s1;
	s8 =	simm.s32 @!p0 $0x1BF5;
	p2 =	por !p2, p0  }
0x20: {  	[sflag:s8] =	ssyncset.s32 @!p0 $0xFFFFF086;
	s6 =	sadd.s32 @!p0 s3, s7;
	s7 =	simm.s32 @!p0 $0x108  }
0x21: {  	s3 =	sadd.s32 s3, s9;
	s6 =	sadd.s32 @!p0 $0x88, s6;
	s7 =	simm.s32 @p2 $0x1082  }
0x22: {  	[simem:s7], [sflag:s8] =	dma.local @!p0 [hbm:s6], $0xF7A  }
0x23: {  	s9 =	sor.u32 $0xD0000000, s2;
	s6 =	simm.s32 $0x108;
	_ =	swait.ge @!p0 [sflag:s8], $0x0  }
0x24: {  	s3 =	sadd.s32 $0x88, s3;
	s6 =	simm.s32 @!p1 $0x1082;
	[sflag:s4] =	ssyncset.s32 $0xFFFFF086  }
0x25: {  	[simem:s6], [sflag:s4] =	dma.local [hbm:s3], $0xF7A  }
0x26: {  	[smem:$0x3F9B] =	sst s1;
	(tag) =	ssettag s2;
	_ =	strace s9  }
0x27: {  	s1 =	sld [smem:$0x3FAB]  }
0x28: {  	s2 =	sld [smem:$0x3FAC]  }
0x29: {  	s4 =	sld [smem:$0x3FAE]  }
0x2a: {  	p0 =	seq.s32 s5, $0x0;
	s5 =	sld [smem:$0x3FAF]  }
0x2b: {  	s6 =	sld [smem:$0x3FB0]  }
0x2c: {  	s7 =	sld [smem:$0x3FB1]  }
0x2d: {  	s3 =	simm.s32 $0x108;
	s8 =	sld [smem:$0x3FB2]  }
0x2e: {  	s3 =	simm.s32 @!p0 $0x1082;
	s9 =	sld [smem:$0x3FB3]  }
0x2f: {  	lr =	sadd.s32 s0, s3;
	s0 =	sld [smem:$0x3FAA]  }
0x30: {  	s3 =	sld [smem:$0x3FAD]  }
0x31: {  	[smem:$0x3FB6] =	sst s10  }
0x32: {  	s10 =	sld [smem:$0x3FB4];
	_ =	sdelay $0x3  }
0x33: {  	p0 =	seq.s32 s10, $0x1;
	s10 =	sld [smem:$0x3FB6];
	_ =	sdelay $0x3  }
0x34: {  	[smem:$0x3FB6] =	sst s10  }
0x35: {  	s10 =	sld [smem:$0x3FB5];
	_ =	sdelay $0x3  }
0x36: {  	p1 =	seq.s32 s10, $0x1;
	s10 =	sld [smem:$0x3FB6];
	_ =	sdelay $0x3  }
0x37: {  	[smem:$0x3FB6] =	sst s10  }
0x38: {  	s10 =	sld [smem:$0x3FB7]  }
0x39: {  	_ = 	snop;
	(pc) =	sbr.ind lr, $3  }
0x3a: {  	_ = 	snop  }
0x3b: {  	_ = 	snop  }
0x3c: {  	p2 =	seq.s32 s10, $0x1;
	s10 =	sld [smem:$0x3FB6]  }
0x3d: {  	_ =	shalt  }
0x3e: {  	_ =	shalt  }
0x3f: {  	_ =	shalt  }
0x40: {  	_ =	shalt  }
0x41: {  	_ =	shalt  }
0x42: {  	_ =	shalt  }
0x43: {  	_ =	shalt  }
0x44: {  	_ =	shalt  }
0x45: {  	_ =	shalt  }
0x46: {  	_ =	shalt  }
0x47: {  	_ =	shalt  }
0x48: {  	_ =	shalt  }
0x49: {  	_ =	shalt  }
0x4a: {  	_ =	shalt  }
0x4b: {  	_ =	shalt  }
0x4c: {  	_ =	shalt  }
0x4d: {  	_ =	shalt  }
0x4e: {  	_ =	shalt  }
0x4f: {  	_ =	shalt  }
0x50: {  	_ =	shalt  }
0x51: {  	_ =	shalt  }
0x52: {  	_ =	shalt  }
0x53: {  	_ =	shalt  }
0x54: {  	_ =	shalt  }
0x55: {  	_ =	shalt  }
0x56: {  	_ =	shalt  }
0x57: {  	_ =	shalt  }
0x58: {  	_ =	shalt  }
0x59: {  	_ =	shalt  }
0x5a: {  	_ =	shalt  }
0x5b: {  	_ =	shalt  }
0x5c: {  	_ =	shalt  }
0x5d: {  	_ =	shalt  }
0x5e: {  	_ =	shalt  }
0x5f: {  	_ =	shalt  }
0x60: {  	_ =	shalt  }
0x61: {  	_ =	shalt  }
0x62: {  	_ =	shalt  }
0x63: {  	_ =	shalt  }
0x64: {  	_ =	shalt  }
0x65: {  	_ =	shalt  }
0x66: {  	_ =	shalt  }
0x67: {  	_ =	shalt  }
0x68: {  	_ =	shalt  }
0x69: {  	_ =	shalt  }
0x6a: {  	_ =	shalt  }
0x6b: {  	_ =	shalt  }
0x6c: {  	_ =	shalt  }
0x6d: {  	_ =	shalt  }
0x6e: {  	_ =	shalt  }
0x6f: {  	_ =	shalt  }
0x70: {  	_ =	shalt  }
0x71: {  	_ =	shalt  }
0x72: {  	_ =	shalt  }
0x73: {  	_ =	shalt  }
0x74: {  	_ =	shalt  }
0x75: {  	_ =	shalt  }
0x76: {  	_ =	shalt  }
0x77: {  	_ =	shalt  }
0x78: {  	_ =	shalt  }
0x79: {  	_ =	shalt  }
0x7a: {  	_ =	shalt  }
0x7b: {  	_ =	shalt  }
0x7c: {  	_ =	shalt  }
0x7d: {  	_ =	shalt  }
0x7e: {  	_ =	shalt  }
0x7f: {  	_ =	shalt  }
0x80: {  	_ =	shalt  }
0x81: {  	_ =	shalt  }
0x82: {  	_ =	shalt  }
0x83: {  	_ =	shalt  }
0x84: {  	_ =	shalt  }
0x85: {  	_ =	shalt  }
0x86: {  	_ =	shalt  }
0x87: {  	_ =	shalt  }
.Lfunc_end0:
.L_simem_size_0:
called_computation_lowered:
.L_overlay_start_0:
0x88: {  	s2 =	sld [smem:$0x3FD9]  }
0x89: {  	s3 =	sld [smem:$0x3FFE];
	_ =	sdelay $0x1  }
0x8a: {  	s1 =	srdreg.scid  }
0x8b: {  	s0 =	sand.u32 $0x1, s1  }
0x8c: {  	s17 =	sshll.u32 s0, $0xA;
	s2 =	sadd.s32 s3, s2  }
0x8d: {  	s2 =	sadd.s32 s2, s17  }
0x8e: {  	[smem:$0x3FC2] =	sst s2  }
0x8f: {  	_ = 	snop  }
0x90: {  	s2 =	sld [smem:$0x3FD0];
	(tm) =	ssettm $0x1  }
0x91: {  	s18 =	sld [smem:$0x3FFB];
	_ =	sdelay $0x3  }
0x92: {  	_ =	strace s18  }
0x93: {  	s3 =	sld [smem:$0x3FFC];
	_ =	sdelay $0x3  }
0x94: {  	_ =	strace s3  }
0x95: {  	s3 =	sld [smem:$0x3FFD];
	_ =	sdelay $0x3  }
0x96: {  	_ =	strace s3  }
0x97: {  	_ =	strace $0x8FFFFFFF  }
0x98: {  	s19 =	sld [smem:$0x3FDB];
	_ =	sdelay $0x1  }
0x99: {  	s4 =	simm.s32 $_scs_section_size  }
0x9a: {  	s5 =	simm.s32 $_size__tile_overlayer_lowered;
	s6 =	simm.s32 $_tile_overlayer_lowered  }
0x9b: {  	s22 =	simm.s32 $0x1BFF;
	s21 =	sshll.u32 s6, $0x1;
	s3 =	sadd.s32 s4, s19  }
0x9c: {  	s7 =	simm.s32 $0x0;
	s20 =	sshll.u32 s5, $0x1;
	s5 =	sadd.s32 s21, s3  }
0x9d: {  	[timem:s7], [sflag:s22] =	dma.local [hbm:s5], s20  }
0x9e: {  	_ =	swait.ge [sflag:s22], s20  }
0x9f: {  	s4 =	ssub.s32 $0x0, s20;
	[sflag:s22] =	ssyncset.done $0x0  }
0xa0: {  	[sflag:s22] =	ssyncadd.s32 s4;
	_ =	sdelay $0x1  }
0xa1: {  	s23 =	simm.s32 $0x1B8B  }
0xa2: {  	_ =	swait.ge [sflag:s23], $0x1  }
0xa3: {  	[sflag:s23] =	ssyncset.done $0x0  }
0xa4: {  	s25 =	simm.s32 $0x1B8E;
	s24 =	sld [smem:$0x3FFE];
	[sflag:s23] =	ssyncadd.s32 $0xFFFFFFFF  }
0xa5: {  	s26 =	simm.s32 $execute0_lowered;
	[smem:$0x3FD2] =	sst s25  }
0xa6: {  	s5 =	sshll.u32 s26, $0x1;
	_ =	strace $0x80000046;
	[dreg:$0x1] =	wrdreg $0xFFFFFFFF  }
0xa7: {  	s28 =	simm.s32 $_size_execute0_lowered;
	s3 =	sadd.s32 s3, s5;
	[dreg:$0x0] =	wrdreg $0x0  }
0xa8: {  	s5 =	sshll.u32 s28, $0x1;
	[dreg:$0x2] =	wrdreg s3  }
0xa9: {  	[dreg:$0x3] =	wrdreg s5  }
0xaa: {  	[dreg:$0x4] =	wrdreg $0xC0  }
0xab: {  	_ =	task [dreg:s7], $0x5FFFF  }
0xac: {  	[dreg:$0x1] =	wrdreg $0xFFFFFFFF  }
0xad: {  	[dreg:$0x0] =	wrdreg $0x60  }
0xae: {  	[dreg:$0x2] =	wrdreg s2  }
0xaf: {  	[dreg:$0x3] =	wrdreg s24  }
0xb0: {  	[dreg:$0x4] =	wrdreg $0x0  }
0xb1: {  	[dreg:$0x5] =	wrdreg $0x9  }
0xb2: {  	_ =	task.clear_ibuf [dreg:s7], $0x6FFFF;
	_ =	strace $0x90000046  }
0xb3: {  	s29 =	simm.s32 $0x9;
	_ =	strace $0x80000048  }
0xb4: {  	_ =	swait.ge [sflag:s29], $0x1  }
0xb5: {  	[sflag:s29] =	ssyncadd.s32 $0xFFFFFFFF  }
0xb6: {  	_ =	strace $0x90000048  }
0xb7: {  	_ =	sfence  }
0xb8: {  	s30 =	sld [smem:$0x0];
	_ =	sdelay $0x2  }
0xb9: {  	s31 =	sshll.u32 s1, $0xD;
	s1 =	sshrl.u32 s1, $0x2  }
0xba: {  	s3 =	sand.u32 $0x4000, s31;
	s1 =	sadd.s32 s1, s30  }
0xbb: {  	s0 =	sor.u32 s3, s0;
	s1 =	sshll.u32 s1, $0x11  }
0xbc: {  	s0 =	sor.u32 s1, s0  }
0xbd: {  	s0 =	sadd.s32 $0x8F2B, s0  }
0xbe: {  	[sflag:s0] =	ssyncadd.remote.s32 $0x1  }
0xbf: {  	_ =	sfence.sel $0xFFFF  }
0xc0: {  	[dreg:$0x0] =	wrdreg $0xFFFFFFFF;
	(pc) =	sbr.abs _section_cstart, $3  }
0xc1: {  	[dreg:$0x1] =	wrdreg $0xFFFFFFFF  }
0xc2: {  	_ =	task.clear_ibuf [dreg:s7], $0x2FFFF;
	_ =	strace $0x9FFFFFFF  }
0xc3: {  	(tm) =	ssettm $0x7FFFFFFF  }
tec
execute0_lowered:
.L_overlay_start_1:
0x0: {  	(tag) =	ssettag $0x1  }
0x1: {  	s1 =	rddreg [dreg:$0x0]  }
0x2: {  	s6 =	rddreg [dreg:$0x1];
	s2 =	srdreg.scid  }
0x3: {  	s0 =	stileid.u32;
	s3 =	rddreg [dreg:$0x2];
	s4 =	simm.s32 $0x0  }
0x4: {  	s12 =	simm.s32 $0xA000;
	s13 =	simm.s32 $0x1;
	s14 =	simm.s32 $0xB400  }
0x5: {  	s15 =	simm.s32 $0x5000;
	s16 =	simm.s32 $0x7800;
	s17 =	simm.s32 $0x80  }
0x6: {  	s18 =	simm.s32 $0x400;
	s19 =	simm.s32 $0xC800;
	s20 =	simm.s32 $0xCF80  }
0x7: {  	s21 =	simm.s32 $0x0;
	s7 =	sand.u32 $0x1, s2;
	s2 =	rddreg [dreg:$0x3]  }
0x8: {  	s5 =	smul.u32 $0x2800, s0;
	[smem:$0x7FF] =	sst s4;
	s9 =	sshrl.u32 s0, $0x3  }
0x9: {  	s31 =	sshll.u32 s0, $0x7;
	s8 =	smul.u32 $0x28000, s7;
	_ =	strace $0x80000047  }
0xa: {  	s9 =	smul.u32 $0x50000, s9;
	s29 =	ssub.s32 $0x2, s7;
	s30 =	sshll.u32 s7, $0x4  }
0xb: {  	s7 =	sand.u32 $0x380, s31;
	s11 =	sshrl.u32 s29, $0x1;
	s8 =	sadd.s32 s5, s8  }
0xc: {  	s5 =	sadd.s32 $0x2C00, s6;
	s9 =	sshrl.u32 s9, $0x2;
	s11 =	ssub.s32 s29, s11  }
0xd: {  	s10 =	sadd.s32 s8, s6;
	s6 =	sor.u32 s0, s30;
	s9 =	sadd.s32 s9, s3  }
0xe: {  	v2 =	vlaneseq.u32;
	s11 =	smax.u32 s11, $0x1;
	s6 =	smul.u32 $0x50, s6;
	s7 =	sadd.s32 s7, s9  }
0xf: {  	v0 =	vimm.f32 $0.0e+00;
	v1 =	vimm.f32 $1.000000000e+00;
	v2 =	vmul.u32 $0x80, v2;
	s9 =	smul.u32 $0x1400, s0;
	s10 =	sadd.s32 $0xD000, s10;
	s8 =	sadd.s32 $0x28000, s7  }
.LBB2_1:
0x10: {  	s22 =	simm.s32 $0x0  }
.LBB2_2:
0x11: {  	p0 =	sne.s32 s22, $0x9FC0  }
.Ltmp0:
0x12: {  	_ = 	snop;
	(pc) =	sbr.rel @p0 .LBB2_2-.Ltmp0, $4  }
0x13: {  	_ = 	snop  }
0x14: {  	s23 =	sshra.s32 s22, $0x2  }
0x15: {  	[tilespmem:s23+$0x5000] =	vst v0  }
0x16: {  	s22 =	sadd.s32 $0x40, s22;
	[tilespmem:s23+$0x7800] =	vst v0  }
0x17: {  	s22 =	simm.s32 $0x0;
	p1 =	por $0x1, $0x1;
	s23 =	simm.s32 $0x0  }
.LBB2_4:
0x18: {  	s23 =	sadd.s32 s6, s23  }
0x19: {  	s23 =	sshll.u32 s23, $0x4  }
0x1a: {  	s24 =	sadd.s32 s1, s23  }
0x1b: {  	[tilespmem:s12], [sflag:$0x1] =	stream.linear.gather [hbm4b:s24+s22], $0x1400, $0x38;
	[tilespmem:$0x10F80] =	vst v63  }
0x1c: {  	_ =	swait.ge [sflag:s13], $0x1400  }
0x1d: {  	[sflag:s13] =	ssyncset.done $0x0  }
0x1e: {  	s23 =	sadd.s32 s5, s23;
	[sflag:s13] =	ssyncadd.s32 $0xFFFFEC00  }
0x1f: {  	[tilespmem:s14], [sflag:$0x1] =	stream.linear.gather [hbm4b:s23+s22], $0x1400, $0x38;
	[tilespmem:$0x10F80] =	vst v63  }
0x20: {  	_ =	swait.ge [sflag:s13], $0x1400  }
0x21: {  	[sflag:s13] =	ssyncset.done $0x0  }
0x22: {  	p0 =	por p1, p1;
	s23 =	simm.s32 $0x0;
	[sflag:s13] =	ssyncadd.s32 $0xFFFFEC00  }
.LBB2_5:
0x23: {  	s24 =	sshra.s32 s23, $0x2  }
0x24: {  	v3 =	vld [tilespmem:s24+$0xA000]  }
0x25: {  	v4 =	vld [tilespmem:s24+$0xB400];
	_ =	sdelay $0x6  }
0x26: {  	[tilespmem:v3+s15+$0x0] =	vst.idx.add.f32.msk $0xffff, v1  }
0x27: {  	[tilespmem:v4+s16+$0x0] =	vst.idx.add.f32.msk $0xffff, v1  }
0x28: {  	v3 =	vld [tilespmem:s24+$0xA010]  }
0x29: {  	v4 =	vld [tilespmem:s24+$0xB410];
	_ =	sdelay $0x6  }
0x2a: {  	[tilespmem:v3+s15+$0x0] =	vst.idx.add.f32.msk $0xffff, v1  }
0x2b: {  	[tilespmem:v4+s16+$0x0] =	vst.idx.add.f32.msk $0xffff, v1  }
0x2c: {  	v3 =	vld [tilespmem:s24+$0xA020]  }
0x2d: {  	v4 =	vld [tilespmem:s24+$0xB420];
	_ =	sdelay $0x6  }
0x2e: {  	[tilespmem:v3+s15+$0x0] =	vst.idx.add.f32.msk $0xffff, v1  }
0x2f: {  	[tilespmem:v4+s16+$0x0] =	vst.idx.add.f32.msk $0xffff, v1  }
0x30: {  	v3 =	vld [tilespmem:s24+$0xA030]  }
0x31: {  	v4 =	vld [tilespmem:s24+$0xB430];
	_ =	sdelay $0x6  }
0x32: {  	[tilespmem:v3+s15+$0x0] =	vst.idx.add.f32.msk $0xffff, v1  }
0x33: {  	[tilespmem:v4+s16+$0x0] =	vst.idx.add.f32.msk $0xffff, v1  }
0x34: {  	v3 =	vld [tilespmem:s24+$0xA040]  }
0x35: {  	v4 =	vld [tilespmem:s24+$0xB440];
	_ =	sdelay $0x6  }
0x36: {  	[tilespmem:v3+s15+$0x0] =	vst.idx.add.f32.msk $0xffff, v1  }
0x37: {  	[tilespmem:v4+s16+$0x0] =	vst.idx.add.f32.msk $0xffff, v1  }
0x38: {  	v3 =	vld [tilespmem:s24+$0xA050]  }
0x39: {  	v4 =	vld [tilespmem:s24+$0xB450];
	_ =	sdelay $0x6  }
0x3a: {  	[tilespmem:v3+s15+$0x0] =	vst.idx.add.f32.msk $0xffff, v1  }
0x3b: {  	[tilespmem:v4+s16+$0x0] =	vst.idx.add.f32.msk $0xffff, v1  }
0x3c: {  	v3 =	vld [tilespmem:s24+$0xA060]  }
0x3d: {  	v4 =	vld [tilespmem:s24+$0xB460];
	_ =	sdelay $0x6  }
0x3e: {  	[tilespmem:v3+s15+$0x0] =	vst.idx.add.f32.msk $0xffff, v1  }
0x3f: {  	[tilespmem:v4+s16+$0x0] =	vst.idx.add.f32.msk $0xffff, v1  }
0x40: {  	v3 =	vld [tilespmem:s24+$0xA070]  }
0x41: {  	v4 =	vld [tilespmem:s24+$0xB470];
	_ =	sdelay $0x2  }
0x42: {  	p1 =	sne.s32 s23, $0x4E00  }
.Ltmp1:
0x43: {  	_ = 	snop;
	(pc) =	sbr.rel @p1 .LBB2_5-.Ltmp1, $3  }
0x44: {  	_ =	sdelay $0x1  }
0x45: {  	[tilespmem:v3+s15+$0x0] =	vst.idx.add.f32.msk $0xffff, v1  }
0x46: {  	s23 =	sadd.s32 $0x200, s23;
	[tilespmem:v4+s16+$0x0] =	vst.idx.add.f32.msk $0xffff, v1  }
.Ltmp2:
0x47: {  	(pc) =	sbr.rel @p0 .LBB2_4-.Ltmp2, $2  }
0x48: {  	_ =	sdelay $0x2  }
0x49: {  	s23 =	simm.s32 $0x28;
	p1 =	por $0x0, $0x0  }
0x4a: {  	[spmem:s7] =	stream.strided.scatter [tilespmem:s15], [sflag:$0x1], $0x2800, s18, s17, $0x38;
	[tilespmem:$0x10F80] =	vst v63  }
0x4b: {  	_ =	swait.ge [sflag:s13], $0x2800  }
0x4c: {  	[sflag:s13] =	ssyncset.done $0x0  }
0x4d: {  	[sflag:s13] =	ssyncadd.s32 $0xFFFFD800  }
0x4e: {  	[spmem:s8] =	stream.strided.scatter [tilespmem:s16], [sflag:$0x1], $0x2800, s18, s17, $0x38;
	[tilespmem:$0x10F80] =	vst v63  }
0x4f: {  	_ =	swait.ge [sflag:s13], $0x2800  }
0x50: {  	[sflag:s13] =	ssyncset.done $0x0  }
0x51: {  	s22 =	simm.s32 $0x0;
	[sflag:s13] =	ssyncadd.s32 $0xFFFFD800  }
0x52: {  	s23 =	simm.s32 $0x40;
	s24 =	simm.s32 $0x0;
	[bflag:$0x0] =	sbarrier.arrive $0xFFFF  }
.LBB2_8:
0x53: {  	p0 =	sne.s32 s23, $0x9C0;
	[tilespmem:s24+$0xCA80] =	vst v0;
	s25 =	smov.u32 s23;
	s23 =	sadd.s32 $0x40, s23  }
.Ltmp3:
0x54: {  	[tilespmem:s24+$0xCD00] =	vst v0;
	(pc) =	sbr.rel @p0 .LBB2_8-.Ltmp3, $2  }
0x55: {  	_ =	sdelay $0x2  }
0x56: {  	s24 =	sshra.s32 s25, $0x2  }
0x57: {  	[tilespmem:s24+$0xCA80] =	vst v0  }
0x58: {  	[tilespmem:s24+$0xCD00] =	vst v0  }
.LBB2_10:
0x59: {  	s23 =	sshrl.u32 s22, $0x3  }
0x5a: {  	s23 =	smul.u32 $0x50000, s23;
	_ =	sdelay $0x1  }
0x5b: {  	s23 =	sshra.s32 s23, $0x2  }
0x5c: {  	s24 =	sshll.u32 s22, $0x7;
	s23 =	sadd.s32 s23, s3  }
0x5d: {  	s24 =	sand.u32 $0x380, s24;
	s23 =	sadd.s32 s9, s23  }
0x5e: {  	s23 =	sadd.s32 s24, s23  }
0x5f: {  	[tilespmem:s19], [sflag:$0x1] =	stream.strided.gather [spmem:s23], $0x280, s18, s17, $0x38;
	[tilespmem:$0x10F80] =	vst v63  }
0x60: {  	_ =	swait.ge [sflag:s13], $0x280  }
0x61: {  	[sflag:s13] =	ssyncset.done $0x0  }
0x62: {  	s24 =	simm.s32 $0x0;
	[sflag:s13] =	ssyncadd.s32 $0xFFFFFD80  }
0x63: {  	s25 =	simm.s32 $0x40;
	v3 =	vld [tilespmem:s24+$0xC800]  }
.LBB2_11:
0x64: {  	p0 =	sne.s32 s25, $0x9C0;
	v4 =	vld [tilespmem:s24+$0xCA80];
	_ =	sdelay $0x2  }
.Ltmp4:
0x65: {  	(pc) =	sbr.rel @p0 .LBB2_11-.Ltmp4, $4  }
0x66: {  	_ = 	snop  }
0x67: {  	v4 =	vadd.f32 v3, v4  }
0x68: {  	s26 =	sshra.s32 s25, $0x2  }
0x69: {  	s25 =	sadd.s32 $0x40, s25;
	v3 =	vld [tilespmem:s26+$0xC800];
	[tilespmem:s24+$0xCA80] =	vst v4;
	s24 =	smov.u32 s26  }
0x6a: {  	v4 =	vld [tilespmem:s24+$0xCA80];
	_ =	sdelay $0x4  }
0x6b: {  	v3 =	vadd.f32 v3, v4;
	_ =	sdelay $0x1  }
0x6c: {  	s23 =	sadd.s32 $0x28000, s23;
	[tilespmem:s24+$0xCA80] =	vst v3  }
0x6d: {  	[tilespmem:s19], [sflag:$0x1] =	stream.strided.gather [spmem:s23], $0x280, s18, s17, $0x38;
	[tilespmem:$0x10F80] =	vst v63  }
0x6e: {  	_ =	swait.ge [sflag:s13], $0x280  }
0x6f: {  	[sflag:s13] =	ssyncset.done $0x0  }
0x70: {  	s23 =	simm.s32 $0x0;
	[sflag:s13] =	ssyncadd.s32 $0xFFFFFD80  }
0x71: {  	s24 =	simm.s32 $0x40;
	v3 =	vld [tilespmem:s23+$0xC800]  }
.LBB2_13:
0x72: {  	p0 =	sne.s32 s24, $0x9C0;
	v4 =	vld [tilespmem:s23+$0xCD00];
	_ =	sdelay $0x2  }
.Ltmp5:
0x73: {  	(pc) =	sbr.rel @p0 .LBB2_13-.Ltmp5, $4  }
0x74: {  	_ = 	snop  }
0x75: {  	v4 =	vadd.f32 v3, v4  }
0x76: {  	s25 =	sshra.s32 s24, $0x2  }
0x77: {  	s24 =	sadd.s32 $0x40, s24;
	v3 =	vld [tilespmem:s25+$0xC800];
	[tilespmem:s23+$0xCD00] =	vst v4;
	s23 =	smov.u32 s25  }
0x78: {  	v4 =	vld [tilespmem:s23+$0xCD00]  }
0x79: {  	s22 =	sadd.s32 $0x1, s22  }
0x7a: {  	p0 =	sne.s32 s22, $0x10  }
.Ltmp6:
0x7b: {  	_ = 	snop;
	(pc) =	sbr.rel @p0 .LBB2_10-.Ltmp6, $3  }
0x7c: {  	_ = 	snop  }
0x7d: {  	v3 =	vadd.f32 v3, v4;
	_ =	sdelay $0x1  }
0x7e: {  	[tilespmem:s23+$0xCD00] =	vst v3  }
0x7f: {  	s22 =	simm.s32 $0x0  }
0x80: {  	s23 =	simm.s32 $0xCD00;
	s24 =	simm.s32 $0xCA80;
	s25 =	simm.s32 $0x0  }
.LBB2_16:
0x81: {  	v3 =	vmov s22  }
0x82: {  	v3 =	vshll.u32 v3, $0x7  }
0x83: {  	v6 =	vld [tilespmem:s24+$0x0];
	v7 =	vor.u32 v2, v3  }
0x84: {  	v3 =	vld [tilespmem:s23+$0x0];
	v4 =	vor.u32 $0x1, v7;
	_ =	sdelay $0x2  }
0x85: {  	s26 =	simm.s32 $0x10  }
0x86: {  	s29 =	simm.s32 $0x20;
	s28 =	smov.u32 s24;
	v5 =	vmov s26;
	s26 =	smov.u32 s23;
	[tilespmem:v7+s20+$0x0] =	vst.idx.msk $0xffff, v6  }
.LBB2_17:
0x87: {  	p0 =	sne.s32 s29, $0x70;
	v5 =	vshll.u32 v5, $0x7;
	[tilespmem:v4+s20+$0x0] =	vst.idx.msk $0xffff, v3;
	s28 =	sadd.s32 $0x10, s28  }
0x88: {  	s26 =	sadd.s32 $0x10, s26;
	v6 =	vld [tilespmem:s28+$0x0];
	v7 =	vor.u32 v2, v5  }
.Ltmp7:
0x89: {  	v3 =	vld [tilespmem:s26+$0x0];
	v4 =	vor.u32 $0x1, v7;
	(pc) =	sbr.rel @p0 .LBB2_17-.Ltmp7, $2  }
0x8a: {  	_ =	sdelay $0x2  }
0x8b: {  	v5 =	vmov s29;
	s29 =	sadd.s32 $0x10, s29;
	[tilespmem:v7+s20+$0x0] =	vst.idx.msk $0xffff, v6  }
0x8c: {  	_ =	sdelay $0x3  }
0x8d: {  	v5 =	vshll.u32 v5, $0x7;
	[tilespmem:v4+s20+$0x0] =	vst.idx.msk $0xffff, v3;
	s28 =	sadd.s32 $0x10, s28  }
0x8e: {  	s26 =	sadd.s32 $0x10, s26;
	v3 =	vld [tilespmem:s28+$0x0];
	v62 =	vor.u32 v2, v5  }
0x8f: {  	v63 =	vld [tilespmem:s26+$0x0];
	v6 =	vor.u32 $0x1, v62;
	_ =	sdelay $0x2  }
0x90: {  	s31 =	sshll.u32 s25, $0xB;
	s25 =	sadd.s32 $0x1, s25  }
0x91: {  	p0 =	sne.s32 s25, $0x5;
	[tilespmem:v62+s20+$0x0] =	vst.idx.msk $0xffff, v3  }
.Ltmp8:
0x92: {  	s26 =	sadd.s32 s31, s10;
	[tilespmem:v6+s20+$0x0] =	vst.idx.msk $0xffff, v63;
	(pc) =	sbr.rel @p0 .LBB2_16-.Ltmp8, $4  }
0x93: {  	[hbm4b:s26+s4] =	stream.linear.scatter [tilespmem:s20], [sflag:$0x1], $0x4000, $0x38;
	[tilespmem:$0x10F80] =	vst v63  }
0x94: {  	_ =	swait.ge [sflag:s13], $0x4000  }
0x95: {  	[sflag:s13] =	ssyncset.done $0x0  }
0x96: {  	s23 =	sadd.s32 $0x80, s23;
	s24 =	sadd.s32 $0x80, s24;
	[sflag:s13] =	ssyncadd.s32 $0xFFFFC000  }
0x97: {  	s21 =	sadd.s32 $0x1, s21  }
0x98: {  	p0 =	sne.s32 s21, s11  }
.Ltmp9:
0x99: {  	_ = 	snop;
	(pc) =	sbr.rel @p0 .LBB2_1-.Ltmp9, $1  }
0x9a: {  	_ =	sdelay $0x3  }
0x9b: {  	_ =	sfence.sel $0x180000  }
0x9c: {  	[bflag:$0x0] =	sbarrier.arrive $0xFFFF  }
0x9d: {  	p0 =	sne.s32 s0, $0x0;
	_ =	strace $0x90000047  }
0x9e: {  	s0 =	sadd.s32 @!p0 $0x100000, s2;
	[bflag:$0x2] =	sbarrier.arrive $0xFFFF  }
0x9f: {  	[sflag:s0] =	ssyncadd.tile.s32 @!p0 $0x1;
	_ =	shalt  }
.Lfunc_end2:
_tile_overlayer_lowered:
.L_overlay_start_2:
0xa0: {  	(tag) =	ssettag $0x2  }
0xa1: {  	s0 =	rddreg [dreg:$0x0];
	s2 =	stileid.u32  }
0xa2: {  	s1 =	rddreg [dreg:$0x1];
	p0 =	sne.s32 s2, $0x0  }
0xa3: {  	s3 =	rddreg [dreg:$0x2];
	[bflag:$0x3] =	sbarrier.arrive $0xFFFF;
	s2 =	simm.s32 @!p0 $0x1C01  }
0xa4: {  	[timem:s3], [sflag:s2] =	dma.local @!p0 [hbm:s0], s1  }
0xa5: {  	s0 =	simm.s32 @!p0 $0x1  }
0xa6: {  	_ =	swait.ge @!p0 [sflag:s0], s1  }
0xa7: {  	s1 =	ssub.s32 @!p0 $0x0, s1;
	[sflag:s0] =	ssyncset.done @!p0 $0x0  }
0xa8: {  	[sflag:s0] =	ssyncadd.s32 @!p0 s1  }
0xa9: {  	[bflag:$0x3] =	sbarrier.arrive $0xFFFF  }
0xaa: {  	_ =	shalt  }

</sc_bundles>
